<compile_context>
chip_gen: v7x
topology: tpu7x:2x2x1
jax: 0.10.2.dev20260603
libtpu: 0.0.44.dev20260713+nightly
codegen_flags: <defaults>
</compile_context>

<pallas_src>
import jax
import jax.numpy as jnp
from jax import lax
from jax.experimental import pallas as pl
from jax.experimental.pallas import tpu as pltpu
from jax.experimental.pallas import tpu_sc as plsc

_B, _S, _D = 4, 4096, 2048
_NC, _NS = 2, 16
_NW = _NC * _NS
_SPW = _S // _NW
_CH = 2
_NCHUNK = _SPW // _CH
_NBUF = 4
_LANES = 16


def _sc_add(x_hbm, pe_hbm, out_hbm, pe_v, x_v,
            isem0, isem1, isem2, isem3, osem0, osem1, osem2, osem3):
    wid = lax.axis_index("s") * _NC + lax.axis_index("c")
    s0 = wid * _SPW
    isems = (isem0, isem1, isem2, isem3)
    osems = (osem0, osem1, osem2, osem3)

    def start_in(ci, buf):
        s = s0 + ci * _CH
        pltpu.async_copy(pe_hbm.at[pl.ds(s, _CH)], pe_v.at[buf], isems[buf])
        pltpu.async_copy(
            x_hbm.at[:, pl.ds(s, _CH)], x_v.at[buf], isems[buf]
        )

    def wait_in(buf):
        pltpu.make_async_copy(
            pe_hbm.at[pl.ds(0, _CH)], pe_v.at[buf], isems[buf]
        ).wait()
        pltpu.make_async_copy(
            x_hbm.at[:, pl.ds(0, _CH)], x_v.at[buf], isems[buf]
        ).wait()

    def compute(buf):
        def lane_body(j, carry):
            sl = pl.ds(j * _LANES, _LANES)
            for i in range(_CH):
                pe_reg = pe_v[buf, i, sl]
                for b in range(_B):
                    x_v[buf, b, i, sl] = x_v[buf, b, i, sl] + pe_reg
            return carry

        lax.fori_loop(0, _D // _LANES, lane_body, 0)

    def start_out(ci, buf):
        s = s0 + ci * _CH
        pltpu.async_copy(
            x_v.at[buf], out_hbm.at[:, pl.ds(s, _CH)], osems[buf]
        )

    def drain_out(buf):
        pltpu.make_async_copy(
            x_v.at[buf], out_hbm.at[:, pl.ds(0, _CH)], osems[buf]
        ).wait()

    start_in(0, 0)
    start_in(1, 1)

    def group_body(g, carry):
        for j in range(_NBUF):
            ci = _NBUF * g + j
            jj = (j + 2) % _NBUF

            @pl.when(ci - 2 >= 0)
            def _drain():
                drain_out(jj)

            @pl.when(ci + 2 < _NCHUNK)
            def _prefetch():
                start_in(ci + 2, jj)

            wait_in(j)
            compute(j)
            start_out(ci, j)
        return carry

    lax.fori_loop(0, _NCHUNK // _NBUF, group_body, 0)
    drain_out((_NCHUNK - 2) % _NBUF)
    drain_out((_NCHUNK - 1) % _NBUF)


def kernel(x, pe):
    B, S, D = x.shape
    mesh = plsc.VectorSubcoreMesh(core_axis_name="c", subcore_axis_name="s")
    return pl.kernel(
        _sc_add,
        mesh=mesh,
        out_type=jax.ShapeDtypeStruct((B, S, D), jnp.float32),
        scratch_types=[
            pltpu.VMEM((_NBUF, _CH, _D), jnp.float32),
            pltpu.VMEM((_NBUF, _B, _CH, _D), jnp.float32),
            pltpu.SemaphoreType.DMA,
            pltpu.SemaphoreType.DMA,
            pltpu.SemaphoreType.DMA,
            pltpu.SemaphoreType.DMA,
            pltpu.SemaphoreType.DMA,
            pltpu.SemaphoreType.DMA,
            pltpu.SemaphoreType.DMA,
            pltpu.SemaphoreType.DMA,
        ],
    )(x, pe)

# --- scband reference (transcript-rebuilt; emitter-appended) ---
"""Pipeline reference for scband-learned-positional-encoding-71004399337694 (READ-ONLY COPY).

The authoritative reference and input builder live on the scoring server;
editing this copy changes nothing except your own understanding.
"""

import jax, jax.numpy as jnp
import numpy as np

D_MODEL = 2048
MAX_LEN = 8192
B, S = 4, 4096

def setup_inputs(seed: int = 0) -> dict:
    key = jax.random.key(seed)
    kx, kp = jax.random.split(key)
    x = jax.random.normal(kx, (B, S, D_MODEL), dtype=jnp.float32)
    # learned positional embedding table, nn.Embedding default init ~ N(0,1)
    pe = jax.random.normal(kp, (MAX_LEN, D_MODEL), dtype=jnp.float32)
    return {"x": x, "pe": pe}

def reference(x, pe):
    positions = jnp.arange(x.shape[1])
    pos_emb = jnp.take(pe, positions, axis=0)  # [S, d_model]
    return x + pos_emb[None, :, :]

if __name__ == "__main__":
    import jax
    _d = setup_inputs()
    print(jax.jit(kernel)(*tuple(_d.values())))

</pallas_src>

<mosaic_0001>
#map = affine_map<(d0, d1) -> (0, 0, 0)>
#map1 = affine_map<(d0, d1) -> (0, 0)>
module attributes {stable_mosaic.version = 14 : i64} {
  func.func @_sc_add(%arg0: i32, %arg1: i32, %arg2: memref<4x4096x2048xf32, #tpu.memory_space<hbm>>, %arg3: memref<8192x2048xf32, #tpu.memory_space<hbm>>, %arg4: memref<4x4096x2048xf32, #tpu.memory_space<hbm>>, %arg5: memref<4x2x2048xf32, #tpu.memory_space<vmem>>, %arg6: memref<4x4x2x2048xf32, #tpu.memory_space<vmem>>, %arg7: memref<!tpu.dma_semaphore, #tpu.memory_space<semaphore_mem>>, %arg8: memref<!tpu.dma_semaphore, #tpu.memory_space<semaphore_mem>>, %arg9: memref<!tpu.dma_semaphore, #tpu.memory_space<semaphore_mem>>, %arg10: memref<!tpu.dma_semaphore, #tpu.memory_space<semaphore_mem>>, %arg11: memref<!tpu.dma_semaphore, #tpu.memory_space<semaphore_mem>>, %arg12: memref<!tpu.dma_semaphore, #tpu.memory_space<semaphore_mem>>, %arg13: memref<!tpu.dma_semaphore, #tpu.memory_space<semaphore_mem>>, %arg14: memref<!tpu.dma_semaphore, #tpu.memory_space<semaphore_mem>>) attributes {dimension_semantics = [#tpu.dimension_semantics<core_parallel>, #tpu.dimension_semantics<subcore_parallel>], iteration_bounds = array<i64: 2, 16>, scalar_prefetch = 0 : i64, scratch_operands = 10 : i64, tpu.core_type = #tpu.core_type<sc_vector_subcore>, window_params = [{transform_indices = #map}, {transform_indices = #map1}, {transform_indices = #map}]} {
    %mul3A = arith.constant 2 : i32
    %mul3A_0 = arith.muli %arg1, %mul3A : i32
    %add3A = arith.addi %mul3A_0, %arg0 : i32
    %mul3A_1 = arith.constant 128 : i32
    %mul3A_2 = arith.muli %add3A, %mul3A_1 : i32
    %add3A_3 = arith.constant 0 : i32
    %add3A_4 = arith.addi %mul3A_2, %add3A_3 : i32
    %dma_start3A = arith.constant 0 : i32
    %dma_start3A_5 = arith.constant 0 : i32
    %dma_start3A_6 = arith.constant 0 : i32
    %dma_start3A_7 = tpu.memref_slice %arg5[%dma_start3A, %dma_start3A_5, %dma_start3A_6] : memref<4x2x2048xf32, #tpu.memory_space<vmem>> -> memref<1x2x2048xf32, #tpu.memory_space<vmem>>
    %dma_start3A_8 = tpu.memref_squeeze %dma_start3A_7 : memref<1x2x2048xf32, #tpu.memory_space<vmem>> -> memref<2x2048xf32, #tpu.memory_space<vmem>>
    %dma_start3A_9 = arith.constant 0 : i32
    %dma_start3A_10 = tpu.memref_slice %arg3[%add3A_4, %dma_start3A_9] : memref<8192x2048xf32, #tpu.memory_space<hbm>> -> memref<2x2048xf32, #tpu.memory_space<hbm>>
    %dma_start3A_11 = arith.constant 0 : i32
    %dma_start3A_12 = arith.constant 0 : i32
    %dma_start3A_13 = tpu.memref_slice %arg5[%dma_start3A, %dma_start3A_11, %dma_start3A_12] : memref<4x2x2048xf32, #tpu.memory_space<vmem>> -> memref<1x2x2048xf32, #tpu.memory_space<vmem>>
    %dma_start3A_14 = tpu.memref_squeeze %dma_start3A_13 : memref<1x2x2048xf32, #tpu.memory_space<vmem>> -> memref<2x2048xf32, #tpu.memory_space<vmem>>
    %dma_start3A_15 = arith.constant 0 : i32
    %dma_start3A_16 = tpu.memref_slice %arg3[%add3A_4, %dma_start3A_15] : memref<8192x2048xf32, #tpu.memory_space<hbm>> -> memref<2x2048xf32, #tpu.memory_space<hbm>>
    tpu.enqueue_dma source(%dma_start3A_16 : memref<2x2048xf32, #tpu.memory_space<hbm>>) target(%dma_start3A_14 : memref<2x2048xf32, #tpu.memory_space<vmem>>) target_semaphore(%arg7 : memref<!tpu.dma_semaphore, #tpu.memory_space<semaphore_mem>>)
    %dma_start3A_17 = arith.constant 0 : i32
    %dma_start3A_18 = arith.constant 0 : i32
    %dma_start3A_19 = arith.constant 0 : i32
    %dma_start3A_20 = arith.constant 0 : i32
    %dma_start3A_21 = tpu.memref_slice %arg6[%dma_start3A_17, %dma_start3A_18, %dma_start3A_19, %dma_start3A_20] : memref<4x4x2x2048xf32, #tpu.memory_space<vmem>> -> memref<1x4x2x2048xf32, #tpu.memory_space<vmem>>
    %dma_start3A_22 = tpu.memref_squeeze %dma_start3A_21 : memref<1x4x2x2048xf32, #tpu.memory_space<vmem>> -> memref<4x2x2048xf32, #tpu.memory_space<vmem>>
    %dma_start3A_23 = arith.constant 0 : i32
    %dma_start3A_24 = arith.constant 0 : i32
    %dma_start3A_25 = tpu.memref_slice %arg2[%dma_start3A_23, %add3A_4, %dma_start3A_24] : memref<4x4096x2048xf32, #tpu.memory_space<hbm>> -> memref<4x2x2048xf32, #tpu.memory_space<hbm>>
    %dma_start3A_26 = arith.constant 0 : i32
    %dma_start3A_27 = arith.constant 0 : i32
    %dma_start3A_28 = arith.constant 0 : i32
    %dma_start3A_29 = tpu.memref_slice %arg6[%dma_start3A_17, %dma_start3A_26, %dma_start3A_27, %dma_start3A_28] : memref<4x4x2x2048xf32, #tpu.memory_space<vmem>> -> memref<1x4x2x2048xf32, #tpu.memory_space<vmem>>
    %dma_start3A_30 = tpu.memref_squeeze %dma_start3A_29 : memref<1x4x2x2048xf32, #tpu.memory_space<vmem>> -> memref<4x2x2048xf32, #tpu.memory_space<vmem>>
    %dma_start3A_31 = arith.constant 0 : i32
    %dma_start3A_32 = arith.constant 0 : i32
    %dma_start3A_33 = tpu.memref_slice %arg2[%dma_start3A_31, %add3A_4, %dma_start3A_32] : memref<4x4096x2048xf32, #tpu.memory_space<hbm>> -> memref<4x2x2048xf32, #tpu.memory_space<hbm>>
    tpu.enqueue_dma source(%dma_start3A_33 : memref<4x2x2048xf32, #tpu.memory_space<hbm>>) target(%dma_start3A_30 : memref<4x2x2048xf32, #tpu.memory_space<vmem>>) target_semaphore(%arg7 : memref<!tpu.dma_semaphore, #tpu.memory_space<semaphore_mem>>)
    %add3A_34 = arith.constant 2 : i32
    %add3A_35 = arith.addi %mul3A_2, %add3A_34 : i32
    %dma_start3A_36 = arith.constant 1 : i32
    %dma_start3A_37 = arith.constant 0 : i32
    %dma_start3A_38 = arith.constant 0 : i32
    %dma_start3A_39 = tpu.memref_slice %arg5[%dma_start3A_36, %dma_start3A_37, %dma_start3A_38] : memref<4x2x2048xf32, #tpu.memory_space<vmem>> -> memref<1x2x2048xf32, #tpu.memory_space<vmem>>
    %dma_start3A_40 = tpu.memref_squeeze %dma_start3A_39 : memref<1x2x2048xf32, #tpu.memory_space<vmem>> -> memref<2x2048xf32, #tpu.memory_space<vmem>>
    %dma_start3A_41 = arith.constant 0 : i32
    %dma_start3A_42 = tpu.memref_slice %arg3[%add3A_35, %dma_start3A_41] : memref<8192x2048xf32, #tpu.memory_space<hbm>> -> memref<2x2048xf32, #tpu.memory_space<hbm>>
    %dma_start3A_43 = arith.constant 0 : i32
    %dma_start3A_44 = arith.constant 0 : i32
    %dma_start3A_45 = tpu.memref_slice %arg5[%dma_start3A_36, %dma_start3A_43, %dma_start3A_44] : memref<4x2x2048xf32, #tpu.memory_space<vmem>> -> memref<1x2x2048xf32, #tpu.memory_space<vmem>>
    %dma_start3A_46 = tpu.memref_squeeze %dma_start3A_45 : memref<1x2x2048xf32, #tpu.memory_space<vmem>> -> memref<2x2048xf32, #tpu.memory_space<vmem>>
    %dma_start3A_47 = arith.constant 0 : i32
    %dma_start3A_48 = tpu.memref_slice %arg3[%add3A_35, %dma_start3A_47] : memref<8192x2048xf32, #tpu.memory_space<hbm>> -> memref<2x2048xf32, #tpu.memory_space<hbm>>
    tpu.enqueue_dma source(%dma_start3A_48 : memref<2x2048xf32, #tpu.memory_space<hbm>>) target(%dma_start3A_46 : memref<2x2048xf32, #tpu.memory_space<vmem>>) target_semaphore(%arg8 : memref<!tpu.dma_semaphore, #tpu.memory_space<semaphore_mem>>)
    %dma_start3A_49 = arith.constant 1 : i32
    %dma_start3A_50 = arith.constant 0 : i32
    %dma_start3A_51 = arith.constant 0 : i32
    %dma_start3A_52 = arith.constant 0 : i32
    %dma_start3A_53 = tpu.memref_slice %arg6[%dma_start3A_49, %dma_start3A_50, %dma_start3A_51, %dma_start3A_52] : memref<4x4x2x2048xf32, #tpu.memory_space<vmem>> -> memref<1x4x2x2048xf32, #tpu.memory_space<vmem>>
    %dma_start3A_54 = tpu.memref_squeeze %dma_start3A_53 : memref<1x4x2x2048xf32, #tpu.memory_space<vmem>> -> memref<4x2x2048xf32, #tpu.memory_space<vmem>>
    %dma_start3A_55 = arith.constant 0 : i32
    %dma_start3A_56 = arith.constant 0 : i32
    %dma_start3A_57 = tpu.memref_slice %arg2[%dma_start3A_55, %add3A_35, %dma_start3A_56] : memref<4x4096x2048xf32, #tpu.memory_space<hbm>> -> memref<4x2x2048xf32, #tpu.memory_space<hbm>>
    %dma_start3A_58 = arith.constant 0 : i32
    %dma_start3A_59 = arith.constant 0 : i32
    %dma_start3A_60 = arith.constant 0 : i32
    %dma_start3A_61 = tpu.memref_slice %arg6[%dma_start3A_49, %dma_start3A_58, %dma_start3A_59, %dma_start3A_60] : memref<4x4x2x2048xf32, #tpu.memory_space<vmem>> -> memref<1x4x2x2048xf32, #tpu.memory_space<vmem>>
    %dma_start3A_62 = tpu.memref_squeeze %dma_start3A_61 : memref<1x4x2x2048xf32, #tpu.memory_space<vmem>> -> memref<4x2x2048xf32, #tpu.memory_space<vmem>>
    %dma_start3A_63 = arith.constant 0 : i32
    %dma_start3A_64 = arith.constant 0 : i32
    %dma_start3A_65 = tpu.memref_slice %arg2[%dma_start3A_63, %add3A_35, %dma_start3A_64] : memref<4x4096x2048xf32, #tpu.memory_space<hbm>> -> memref<4x2x2048xf32, #tpu.memory_space<hbm>>
    tpu.enqueue_dma source(%dma_start3A_65 : memref<4x2x2048xf32, #tpu.memory_space<hbm>>) target(%dma_start3A_62 : memref<4x2x2048xf32, #tpu.memory_space<vmem>>) target_semaphore(%arg8 : memref<!tpu.dma_semaphore, #tpu.memory_space<semaphore_mem>>)
    %scan3A = arith.constant 0 : i32
    %scan3A_66 = arith.constant 0 : i32
    %scan3A_67 = arith.constant 16 : i32
    %scan3A_68 = arith.addi %scan3A_66, %scan3A_67 : i32
    %scan3A_69 = arith.constant 1 : i32
    scf.for %scan3A_108 = %scan3A_66 to %scan3A_68 step %scan3A_69  : i32 {
      %mul3A_109 = arith.constant 4 : i32
      %mul3A_110 = arith.muli %mul3A_109, %scan3A_108 : i32
      %add3A_111 = arith.constant 0 : i32
      %add3A_112 = arith.addi %mul3A_110, %add3A_111 : i32
      %sub3A = arith.constant 2 : i32
      %sub3A_113 = arith.subi %add3A_112, %sub3A : i32
      %ge3A = arith.constant 0 : i32
      %ge3A_114 = arith.cmpi sge, %sub3A_113, %ge3A : i32
      %convert_element_type3A = arith.extui %ge3A_114 : i1 to i32
      %cond3A = arith.constant 0 : i32
      %cond3A_115 = arith.cmpi ne, %convert_element_type3A, %cond3A : i32
      scf.if %cond3A_115 {
        %dma_wait3A_416 = arith.constant 2 : i32
        %dma_wait3A_417 = arith.constant 0 : i32
        %dma_wait3A_418 = arith.constant 0 : i32
        %dma_wait3A_419 = arith.constant 0 : i32
        %dma_wait3A_420 = tpu.memref_slice %arg6[%dma_wait3A_416, %dma_wait3A_417, %dma_wait3A_418, %dma_wait3A_419] : memref<4x4x2x2048xf32, #tpu.memory_space<vmem>> -> memref<1x4x2x2048xf32, #tpu.memory_space<vmem>>
        %dma_wait3A_421 = tpu.memref_squeeze %dma_wait3A_420 : memref<1x4x2x2048xf32, #tpu.memory_space<vmem>> -> memref<4x2x2048xf32, #tpu.memory_space<vmem>>
        %dma_wait3A_422 = arith.constant 0 : i32
        %dma_wait3A_423 = arith.constant 0 : i32
        %dma_wait3A_424 = arith.constant 0 : i32
        %dma_wait3A_425 = tpu.memref_slice %arg4[%dma_wait3A_422, %dma_wait3A_423, %dma_wait3A_424] : memref<4x4096x2048xf32, #tpu.memory_space<hbm>> -> memref<4x2x2048xf32, #tpu.memory_space<hbm>>
        %dma_wait3A_426 = arith.constant 0 : i32
        %dma_wait3A_427 = arith.constant 0 : i32
        %dma_wait3A_428 = arith.constant 0 : i32
        %dma_wait3A_429 = tpu.memref_slice %arg4[%dma_wait3A_426, %dma_wait3A_427, %dma_wait3A_428] : memref<4x4096x2048xf32, #tpu.memory_space<hbm>> -> memref<4x2x2048xf32, #tpu.memory_space<hbm>>
        %dma_wait3A_430 = arith.constant 0 : i32
        %dma_wait3A_431 = arith.constant 0 : i32
        %dma_wait3A_432 = arith.constant 0 : i32
        %dma_wait3A_433 = tpu.memref_slice %arg6[%dma_wait3A_416, %dma_wait3A_430, %dma_wait3A_431, %dma_wait3A_432] : memref<4x4x2x2048xf32, #tpu.memory_space<vmem>> -> memref<1x4x2x2048xf32, #tpu.memory_space<vmem>>
        %dma_wait3A_434 = tpu.memref_squeeze %dma_wait3A_433 : memref<1x4x2x2048xf32, #tpu.memory_space<vmem>> -> memref<4x2x2048xf32, #tpu.memory_space<vmem>>
        tpu.wait_dma2 semaphore(%arg13 : memref<!tpu.dma_semaphore, #tpu.memory_space<semaphore_mem>>) src(%dma_wait3A_434 : memref<4x2x2048xf32, #tpu.memory_space<vmem>>) dst(%dma_wait3A_429 : memref<4x2x2048xf32, #tpu.memory_space<hbm>>)
      } else {
      }
      %add3A_116 = arith.constant 2 : i32
      %add3A_117 = arith.addi %add3A_112, %add3A_116 : i32
      %lt3A = arith.constant 64 : i32
      %lt3A_118 = arith.cmpi slt, %add3A_117, %lt3A : i32
      %convert_element_type3A_119 = arith.extui %lt3A_118 : i1 to i32
      %cond3A_120 = arith.constant 0 : i32
      %cond3A_121 = arith.cmpi ne, %convert_element_type3A_119, %cond3A_120 : i32
      scf.if %cond3A_121 {
        %add3A_416 = arith.constant 2 : i32
        %add3A_417 = arith.addi %add3A_112, %add3A_416 : i32
        %mul3A_418 = arith.constant 2 : i32
        %mul3A_419 = arith.muli %add3A_417, %mul3A_418 : i32
        %add3A_420 = arith.addi %mul3A_2, %mul3A_419 : i32
        %dma_start3A_421 = arith.constant 2 : i32
        %dma_start3A_422 = arith.constant 0 : i32
        %dma_start3A_423 = arith.constant 0 : i32
        %dma_start3A_424 = tpu.memref_slice %arg5[%dma_start3A_421, %dma_start3A_422, %dma_start3A_423] : memref<4x2x2048xf32, #tpu.memory_space<vmem>> -> memref<1x2x2048xf32, #tpu.memory_space<vmem>>
        %dma_start3A_425 = tpu.memref_squeeze %dma_start3A_424 : memref<1x2x2048xf32, #tpu.memory_space<vmem>> -> memref<2x2048xf32, #tpu.memory_space<vmem>>
        %dma_start3A_426 = arith.constant 0 : i32
        %dma_start3A_427 = tpu.memref_slice %arg3[%add3A_420, %dma_start3A_426] : memref<8192x2048xf32, #tpu.memory_space<hbm>> -> memref<2x2048xf32, #tpu.memory_space<hbm>>
        %dma_start3A_428 = arith.constant 0 : i32
        %dma_start3A_429 = arith.constant 0 : i32
        %dma_start3A_430 = tpu.memref_slice %arg5[%dma_start3A_421, %dma_start3A_428, %dma_start3A_429] : memref<4x2x2048xf32, #tpu.memory_space<vmem>> -> memref<1x2x2048xf32, #tpu.memory_space<vmem>>
        %dma_start3A_431 = tpu.memref_squeeze %dma_start3A_430 : memref<1x2x2048xf32, #tpu.memory_space<vmem>> -> memref<2x2048xf32, #tpu.memory_space<vmem>>
        %dma_start3A_432 = arith.constant 0 : i32
        %dma_start3A_433 = tpu.memref_slice %arg3[%add3A_420, %dma_start3A_432] : memref<8192x2048xf32, #tpu.memory_space<hbm>> -> memref<2x2048xf32, #tpu.memory_space<hbm>>
        tpu.enqueue_dma source(%dma_start3A_433 : memref<2x2048xf32, #tpu.memory_space<hbm>>) target(%dma_start3A_431 : memref<2x2048xf32, #tpu.memory_space<vmem>>) target_semaphore(%arg9 : memref<!tpu.dma_semaphore, #tpu.memory_space<semaphore_mem>>)
        %dma_start3A_434 = arith.constant 2 : i32
        %dma_start3A_435 = arith.constant 0 : i32
        %dma_start3A_436 = arith.constant 0 : i32
        %dma_start3A_437 = arith.constant 0 : i32
        %dma_start3A_438 = tpu.memref_slice %arg6[%dma_start3A_434, %dma_start3A_435, %dma_start3A_436, %dma_start3A_437] : memref<4x4x2x2048xf32, #tpu.memory_space<vmem>> -> memref<1x4x2x2048xf32, #tpu.memory_space<vmem>>
        %dma_start3A_439 = tpu.memref_squeeze %dma_start3A_438 : memref<1x4x2x2048xf32, #tpu.memory_space<vmem>> -> memref<4x2x2048xf32, #tpu.memory_space<vmem>>
        %dma_start3A_440 = arith.constant 0 : i32
        %dma_start3A_441 = arith.constant 0 : i32
        %dma_start3A_442 = tpu.memref_slice %arg2[%dma_start3A_440, %add3A_420, %dma_start3A_441] : memref<4x4096x2048xf32, #tpu.memory_space<hbm>> -> memref<4x2x2048xf32, #tpu.memory_space<hbm>>
        %dma_start3A_443 = arith.constant 0 : i32
        %dma_start3A_444 = arith.constant 0 : i32
        %dma_start3A_445 = arith.constant 0 : i32
        %dma_start3A_446 = tpu.memref_slice %arg6[%dma_start3A_434, %dma_start3A_443, %dma_start3A_444, %dma_start3A_445] : memref<4x4x2x2048xf32, #tpu.memory_space<vmem>> -> memref<1x4x2x2048xf32, #tpu.memory_space<vmem>>
        %dma_start3A_447 = tpu.memref_squeeze %dma_start3A_446 : memref<1x4x2x2048xf32, #tpu.memory_space<vmem>> -> memref<4x2x2048xf32, #tpu.memory_space<vmem>>
        %dma_start3A_448 = arith.constant 0 : i32
        %dma_start3A_449 = arith.constant 0 : i32
        %dma_start3A_450 = tpu.memref_slice %arg2[%dma_start3A_448, %add3A_420, %dma_start3A_449] : memref<4x4096x2048xf32, #tpu.memory_space<hbm>> -> memref<4x2x2048xf32, #tpu.memory_space<hbm>>
        tpu.enqueue_dma source(%dma_start3A_450 : memref<4x2x2048xf32, #tpu.memory_space<hbm>>) target(%dma_start3A_447 : memref<4x2x2048xf32, #tpu.memory_space<vmem>>) target_semaphore(%arg9 : memref<!tpu.dma_semaphore, #tpu.memory_space<semaphore_mem>>)
      } else {
      }
      %dma_wait3A_122 = arith.constant 0 : i32
      %dma_wait3A_123 = arith.constant 0 : i32
      %dma_wait3A_124 = arith.constant 0 : i32
      %dma_wait3A_125 = tpu.memref_slice %arg5[%dma_wait3A_122, %dma_wait3A_123, %dma_wait3A_124] : memref<4x2x2048xf32, #tpu.memory_space<vmem>> -> memref<1x2x2048xf32, #tpu.memory_space<vmem>>
      %dma_wait3A_126 = tpu.memref_squeeze %dma_wait3A_125 : memref<1x2x2048xf32, #tpu.memory_space<vmem>> -> memref<2x2048xf32, #tpu.memory_space<vmem>>
      %dma_wait3A_127 = arith.constant 0 : i32
      %dma_wait3A_128 = arith.constant 0 : i32
      %dma_wait3A_129 = tpu.memref_slice %arg3[%dma_wait3A_127, %dma_wait3A_128] : memref<8192x2048xf32, #tpu.memory_space<hbm>> -> memref<2x2048xf32, #tpu.memory_space<hbm>>
      %dma_wait3A_130 = arith.constant 0 : i32
      %dma_wait3A_131 = arith.constant 0 : i32
      %dma_wait3A_132 = tpu.memref_slice %arg5[%dma_wait3A_122, %dma_wait3A_130, %dma_wait3A_131] : memref<4x2x2048xf32, #tpu.memory_space<vmem>> -> memref<1x2x2048xf32, #tpu.memory_space<vmem>>
      %dma_wait3A_133 = tpu.memref_squeeze %dma_wait3A_132 : memref<1x2x2048xf32, #tpu.memory_space<vmem>> -> memref<2x2048xf32, #tpu.memory_space<vmem>>
      %dma_wait3A_134 = arith.constant 0 : i32
      %dma_wait3A_135 = arith.constant 0 : i32
      %dma_wait3A_136 = tpu.memref_slice %arg3[%dma_wait3A_134, %dma_wait3A_135] : memref<8192x2048xf32, #tpu.memory_space<hbm>> -> memref<2x2048xf32, #tpu.memory_space<hbm>>
      tpu.wait_dma2 semaphore(%arg7 : memref<!tpu.dma_semaphore, #tpu.memory_space<semaphore_mem>>) src(%dma_wait3A_136 : memref<2x2048xf32, #tpu.memory_space<hbm>>) dst(%dma_wait3A_133 : memref<2x2048xf32, #tpu.memory_space<vmem>>)
      %dma_wait3A_137 = arith.constant 0 : i32
      %dma_wait3A_138 = arith.constant 0 : i32
      %dma_wait3A_139 = arith.constant 0 : i32
      %dma_wait3A_140 = arith.constant 0 : i32
      %dma_wait3A_141 = tpu.memref_slice %arg6[%dma_wait3A_137, %dma_wait3A_138, %dma_wait3A_139, %dma_wait3A_140] : memref<4x4x2x2048xf32, #tpu.memory_space<vmem>> -> memref<1x4x2x2048xf32, #tpu.memory_space<vmem>>
      %dma_wait3A_142 = tpu.memref_squeeze %dma_wait3A_141 : memref<1x4x2x2048xf32, #tpu.memory_space<vmem>> -> memref<4x2x2048xf32, #tpu.memory_space<vmem>>
      %dma_wait3A_143 = arith.constant 0 : i32
      %dma_wait3A_144 = arith.constant 0 : i32
      %dma_wait3A_145 = arith.constant 0 : i32
      %dma_wait3A_146 = tpu.memref_slice %arg2[%dma_wait3A_143, %dma_wait3A_144, %dma_wait3A_145] : memref<4x4096x2048xf32, #tpu.memory_space<hbm>> -> memref<4x2x2048xf32, #tpu.memory_space<hbm>>
      %dma_wait3A_147 = arith.constant 0 : i32
      %dma_wait3A_148 = arith.constant 0 : i32
      %dma_wait3A_149 = arith.constant 0 : i32
      %dma_wait3A_150 = tpu.memref_slice %arg6[%dma_wait3A_137, %dma_wait3A_147, %dma_wait3A_148, %dma_wait3A_149] : memref<4x4x2x2048xf32, #tpu.memory_space<vmem>> -> memref<1x4x2x2048xf32, #tpu.memory_space<vmem>>
      %dma_wait3A_151 = tpu.memref_squeeze %dma_wait3A_150 : memref<1x4x2x2048xf32, #tpu.memory_space<vmem>> -> memref<4x2x2048xf32, #tpu.memory_space<vmem>>
      %dma_wait3A_152 = arith.constant 0 : i32
      %dma_wait3A_153 = arith.constant 0 : i32
      %dma_wait3A_154 = arith.constant 0 : i32
      %dma_wait3A_155 = tpu.memref_slice %arg2[%dma_wait3A_152, %dma_wait3A_153, %dma_wait3A_154] : memref<4x4096x2048xf32, #tpu.memory_space<hbm>> -> memref<4x2x2048xf32, #tpu.memory_space<hbm>>
      tpu.wait_dma2 semaphore(%arg7 : memref<!tpu.dma_semaphore, #tpu.memory_space<semaphore_mem>>) src(%dma_wait3A_155 : memref<4x2x2048xf32, #tpu.memory_space<hbm>>) dst(%dma_wait3A_151 : memref<4x2x2048xf32, #tpu.memory_space<vmem>>)
      %scan3A_156 = arith.constant 0 : i32
      %scan3A_157 = arith.constant 0 : i32
      %scan3A_158 = arith.constant 128 : i32
      %scan3A_159 = arith.addi %scan3A_157, %scan3A_158 : i32
      %scan3A_160 = arith.constant 1 : i32
      scf.for %scan3A_416 = %scan3A_157 to %scan3A_159 step %scan3A_160  : i32 {
        %mul3A_417 = arith.constant 16 : i32
        %mul3A_418 = arith.muli %scan3A_416, %mul3A_417 : i32
        %get3A = arith.constant 0 : i32
        %get3A_419 = arith.constant 0 : i32
        %get3A_420 = arith.index_cast %get3A : i32 to index
        %get3A_421 = arith.index_cast %get3A_419 : i32 to index
        %get3A_422 = arith.index_cast %mul3A_418 : i32 to index
        %get3A_423 = tpu.vector_load %arg5[%get3A_420, %get3A_421, %get3A_422] {strides = array<i32>} : memref<4x2x2048xf32, #tpu.memory_space<vmem>>, vector<1x1x16xf32>,
        %get3A_424 = vector.shape_cast %get3A_423 : vector<1x1x16xf32> to vector<16xf32>
        %get3A_425 = arith.constant 0 : i32
        %get3A_426 = arith.constant 0 : i32
        %get3A_427 = arith.constant 0 : i32
        %get3A_428 = arith.index_cast %get3A_425 : i32 to index
        %get3A_429 = arith.index_cast %get3A_426 : i32 to index
        %get3A_430 = arith.index_cast %get3A_427 : i32 to index
        %get3A_431 = arith.index_cast %mul3A_418 : i32 to index
        %get3A_432 = tpu.vector_load %arg6[%get3A_428, %get3A_429, %get3A_430, %get3A_431] {strides = array<i32>} : memref<4x4x2x2048xf32, #tpu.memory_space<vmem>>, vector<1x1x1x16xf32>,
        %get3A_433 = vector.shape_cast %get3A_432 : vector<1x1x1x16xf32> to vector<16xf32>
        %add3A_434 = arith.addf %get3A_433, %get3A_424 : vector<16xf32>
        %swap3A = arith.constant 0 : i32
        %swap3A_435 = arith.constant 0 : i32
        %swap3A_436 = arith.constant 0 : i32
        %swap3A_437 = arith.index_cast %swap3A : i32 to index
        %swap3A_438 = arith.index_cast %swap3A_435 : i32 to index
        %swap3A_439 = arith.index_cast %swap3A_436 : i32 to index
        %swap3A_440 = arith.index_cast %mul3A_418 : i32 to index
        %swap3A_441 = tpu.vector_load %arg6[%swap3A_437, %swap3A_438, %swap3A_439, %swap3A_440] {strides = array<i32>} : memref<4x4x2x2048xf32, #tpu.memory_space<vmem>>, vector<1x1x1x16xf32>,
        %swap3A_442 = vector.shape_cast %swap3A_441 : vector<1x1x1x16xf32> to vector<16xf32>
        %swap3A_443 = vector.shape_cast %add3A_434 : vector<16xf32> to vector<1x1x1x16xf32>
        tpu.vector_store %arg6[%swap3A_437, %swap3A_438, %swap3A_439, %swap3A_440], %swap3A_443 {strides = array<i32>} : memref<4x4x2x2048xf32, #tpu.memory_space<vmem>>, vector<1x1x1x16xf32>,
        %get3A_444 = arith.constant 0 : i32
        %get3A_445 = arith.constant 1 : i32
        %get3A_446 = arith.constant 0 : i32
        %get3A_447 = arith.index_cast %get3A_444 : i32 to index
        %get3A_448 = arith.index_cast %get3A_445 : i32 to index
        %get3A_449 = arith.index_cast %get3A_446 : i32 to index
        %get3A_450 = arith.index_cast %mul3A_418 : i32 to index
        %get3A_451 = tpu.vector_load %arg6[%get3A_447, %get3A_448, %get3A_449, %get3A_450] {strides = array<i32>} : memref<4x4x2x2048xf32, #tpu.memory_space<vmem>>, vector<1x1x1x16xf32>,
        %get3A_452 = vector.shape_cast %get3A_451 : vector<1x1x1x16xf32> to vector<16xf32>
        %add3A_453 = arith.addf %get3A_452, %get3A_424 : vector<16xf32>
        %swap3A_454 = arith.constant 0 : i32
        %swap3A_455 = arith.constant 1 : i32
        %swap3A_456 = arith.constant 0 : i32
        %swap3A_457 = arith.index_cast %swap3A_454 : i32 to index
        %swap3A_458 = arith.index_cast %swap3A_455 : i32 to index
        %swap3A_459 = arith.index_cast %swap3A_456 : i32 to index
        %swap3A_460 = arith.index_cast %mul3A_418 : i32 to index
        %swap3A_461 = tpu.vector_load %arg6[%swap3A_457, %swap3A_458, %swap3A_459, %swap3A_460] {strides = array<i32>} : memref<4x4x2x2048xf32, #tpu.memory_space<vmem>>, vector<1x1x1x16xf32>,
        %swap3A_462 = vector.shape_cast %swap3A_461 : vector<1x1x1x16xf32> to vector<16xf32>
        %swap3A_463 = vector.shape_cast %add3A_453 : vector<16xf32> to vector<1x1x1x16xf32>
        tpu.vector_store %arg6[%swap3A_457, %swap3A_458, %swap3A_459, %swap3A_460], %swap3A_463 {strides = array<i32>} : memref<4x4x2x2048xf32, #tpu.memory_space<vmem>>, vector<1x1x1x16xf32>,
        %get3A_464 = arith.constant 0 : i32
        %get3A_465 = arith.constant 2 : i32
        %get3A_466 = arith.constant 0 : i32
        %get3A_467 = arith.index_cast %get3A_464 : i32 to index
        %get3A_468 = arith.index_cast %get3A_465 : i32 to index
        %get3A_469 = arith.index_cast %get3A_466 : i32 to index
        %get3A_470 = arith.index_cast %mul3A_418 : i32 to index
        %get3A_471 = tpu.vector_load %arg6[%get3A_467, %get3A_468, %get3A_469, %get3A_470] {strides = array<i32>} : memref<4x4x2x2048xf32, #tpu.memory_space<vmem>>, vector<1x1x1x16xf32>,
        %get3A_472 = vector.shape_cast %get3A_471 : vector<1x1x1x16xf32> to vector<16xf32>
        %add3A_473 = arith.addf %get3A_472, %get3A_424 : vector<16xf32>
        %swap3A_474 = arith.constant 0 : i32
        %swap3A_475 = arith.constant 2 : i32
        %swap3A_476 = arith.constant 0 : i32
        %swap3A_477 = arith.index_cast %swap3A_474 : i32 to index
        %swap3A_478 = arith.index_cast %swap3A_475 : i32 to index
        %swap3A_479 = arith.index_cast %swap3A_476 : i32 to index
        %swap3A_480 = arith.index_cast %mul3A_418 : i32 to index
        %swap3A_481 = tpu.vector_load %arg6[%swap3A_477, %swap3A_478, %swap3A_479, %swap3A_480] {strides = array<i32>} : memref<4x4x2x2048xf32, #tpu.memory_space<vmem>>, vector<1x1x1x16xf32>,
        %swap3A_482 = vector.shape_cast %swap3A_481 : vector<1x1x1x16xf32> to vector<16xf32>
        %swap3A_483 = vector.shape_cast %add3A_473 : vector<16xf32> to vector<1x1x1x16xf32>
        tpu.vector_store %arg6[%swap3A_477, %swap3A_478, %swap3A_479, %swap3A_480], %swap3A_483 {strides = array<i32>} : memref<4x4x2x2048xf32, #tpu.memory_space<vmem>>, vector<1x1x1x16xf32>,
        %get3A_484 = arith.constant 0 : i32
        %get3A_485 = arith.constant 3 : i32
        %get3A_486 = arith.constant 0 : i32
        %get3A_487 = arith.index_cast %get3A_484 : i32 to index
        %get3A_488 = arith.index_cast %get3A_485 : i32 to index
        %get3A_489 = arith.index_cast %get3A_486 : i32 to index
        %get3A_490 = arith.index_cast %mul3A_418 : i32 to index
        %get3A_491 = tpu.vector_load %arg6[%get3A_487, %get3A_488, %get3A_489, %get3A_490] {strides = array<i32>} : memref<4x4x2x2048xf32, #tpu.memory_space<vmem>>, vector<1x1x1x16xf32>,
        %get3A_492 = vector.shape_cast %get3A_491 : vector<1x1x1x16xf32> to vector<16xf32>
        %add3A_493 = arith.addf %get3A_492, %get3A_424 : vector<16xf32>
        %swap3A_494 = arith.constant 0 : i32
        %swap3A_495 = arith.constant 3 : i32
        %swap3A_496 = arith.constant 0 : i32
        %swap3A_497 = arith.index_cast %swap3A_494 : i32 to index
        %swap3A_498 = arith.index_cast %swap3A_495 : i32 to index
        %swap3A_499 = arith.index_cast %swap3A_496 : i32 to index
        %swap3A_500 = arith.index_cast %mul3A_418 : i32 to index
        %swap3A_501 = tpu.vector_load %arg6[%swap3A_497, %swap3A_498, %swap3A_499, %swap3A_500] {strides = array<i32>} : memref<4x4x2x2048xf32, #tpu.memory_space<vmem>>, vector<1x1x1x16xf32>,
        %swap3A_502 = vector.shape_cast %swap3A_501 : vector<1x1x1x16xf32> to vector<16xf32>
        %swap3A_503 = vector.shape_cast %add3A_493 : vector<16xf32> to vector<1x1x1x16xf32>
        tpu.vector_store %arg6[%swap3A_497, %swap3A_498, %swap3A_499, %swap3A_500], %swap3A_503 {strides = array<i32>} : memref<4x4x2x2048xf32, #tpu.memory_space<vmem>>, vector<1x1x1x16xf32>,
        %get3A_504 = arith.constant 0 : i32
        %get3A_505 = arith.constant 1 : i32
        %get3A_506 = arith.index_cast %get3A_504 : i32 to index
        %get3A_507 = arith.index_cast %get3A_505 : i32 to index
        %get3A_508 = arith.index_cast %mul3A_418 : i32 to index
        %get3A_509 = tpu.vector_load %arg5[%get3A_506, %get3A_507, %get3A_508] {strides = array<i32>} : memref<4x2x2048xf32, #tpu.memory_space<vmem>>, vector<1x1x16xf32>,
        %get3A_510 = vector.shape_cast %get3A_509 : vector<1x1x16xf32> to vector<16xf32>
        %get3A_511 = arith.constant 0 : i32
        %get3A_512 = arith.constant 0 : i32
        %get3A_513 = arith.constant 1 : i32
        %get3A_514 = arith.index_cast %get3A_511 : i32 to index
        %get3A_515 = arith.index_cast %get3A_512 : i32 to index
        %get3A_516 = arith.index_cast %get3A_513 : i32 to index
        %get3A_517 = arith.index_cast %mul3A_418 : i32 to index
        %get3A_518 = tpu.vector_load %arg6[%get3A_514, %get3A_515, %get3A_516, %get3A_517] {strides = array<i32>} : memref<4x4x2x2048xf32, #tpu.memory_space<vmem>>, vector<1x1x1x16xf32>,
        %get3A_519 = vector.shape_cast %get3A_518 : vector<1x1x1x16xf32> to vector<16xf32>
        %add3A_520 = arith.addf %get3A_519, %get3A_510 : vector<16xf32>
        %swap3A_521 = arith.constant 0 : i32
        %swap3A_522 = arith.constant 0 : i32
        %swap3A_523 = arith.constant 1 : i32
        %swap3A_524 = arith.index_cast %swap3A_521 : i32 to index
        %swap3A_525 = arith.index_cast %swap3A_522 : i32 to index
        %swap3A_526 = arith.index_cast %swap3A_523 : i32 to index
        %swap3A_527 = arith.index_cast %mul3A_418 : i32 to index
        %swap3A_528 = tpu.vector_load %arg6[%swap3A_524, %swap3A_525, %swap3A_526, %swap3A_527] {strides = array<i32>} : memref<4x4x2x2048xf32, #tpu.memory_space<vmem>>, vector<1x1x1x16xf32>,
        %swap3A_529 = vector.shape_cast %swap3A_528 : vector<1x1x1x16xf32> to vector<16xf32>
        %swap3A_530 = vector.shape_cast %add3A_520 : vector<16xf32> to vector<1x1x1x16xf32>
        tpu.vector_store %arg6[%swap3A_524, %swap3A_525, %swap3A_526, %swap3A_527], %swap3A_530 {strides = array<i32>} : memref<4x4x2x2048xf32, #tpu.memory_space<vmem>>, vector<1x1x1x16xf32>,
        %get3A_531 = arith.constant 0 : i32
        %get3A_532 = arith.constant 1 : i32
        %get3A_533 = arith.constant 1 : i32
        %get3A_534 = arith.index_cast %get3A_531 : i32 to index
        %get3A_535 = arith.index_cast %get3A_532 : i32 to index
        %get3A_536 = arith.index_cast %get3A_533 : i32 to index
        %get3A_537 = arith.index_cast %mul3A_418 : i32 to index
        %get3A_538 = tpu.vector_load %arg6[%get3A_534, %get3A_535, %get3A_536, %get3A_537] {strides = array<i32>} : memref<4x4x2x2048xf32, #tpu.memory_space<vmem>>, vector<1x1x1x16xf32>,
        %get3A_539 = vector.shape_cast %get3A_538 : vector<1x1x1x16xf32> to vector<16xf32>
        %add3A_540 = arith.addf %get3A_539, %get3A_510 : vector<16xf32>
        %swap3A_541 = arith.constant 0 : i32
        %swap3A_542 = arith.constant 1 : i32
        %swap3A_543 = arith.constant 1 : i32
        %swap3A_544 = arith.index_cast %swap3A_541 : i32 to index
        %swap3A_545 = arith.index_cast %swap3A_542 : i32 to index
        %swap3A_546 = arith.index_cast %swap3A_543 : i32 to index
        %swap3A_547 = arith.index_cast %mul3A_418 : i32 to index
        %swap3A_548 = tpu.vector_load %arg6[%swap3A_544, %swap3A_545, %swap3A_546, %swap3A_547] {strides = array<i32>} : memref<4x4x2x2048xf32, #tpu.memory_space<vmem>>, vector<1x1x1x16xf32>,
        %swap3A_549 = vector.shape_cast %swap3A_548 : vector<1x1x1x16xf32> to vector<16xf32>
        %swap3A_550 = vector.shape_cast %add3A_540 : vector<16xf32> to vector<1x1x1x16xf32>
        tpu.vector_store %arg6[%swap3A_544, %swap3A_545, %swap3A_546, %swap3A_547], %swap3A_550 {strides = array<i32>} : memref<4x4x2x2048xf32, #tpu.memory_space<vmem>>, vector<1x1x1x16xf32>,
        %get3A_551 = arith.constant 0 : i32
        %get3A_552 = arith.constant 2 : i32
        %get3A_553 = arith.constant 1 : i32
        %get3A_554 = arith.index_cast %get3A_551 : i32 to index
        %get3A_555 = arith.index_cast %get3A_552 : i32 to index
        %get3A_556 = arith.index_cast %get3A_553 : i32 to index
        %get3A_557 = arith.index_cast %mul3A_418 : i32 to index
        %get3A_558 = tpu.vector_load %arg6[%get3A_554, %get3A_555, %get3A_556, %get3A_557] {strides = array<i32>} : memref<4x4x2x2048xf32, #tpu.memory_space<vmem>>, vector<1x1x1x16xf32>,
        %get3A_559 = vector.shape_cast %get3A_558 : vector<1x1x1x16xf32> to vector<16xf32>
        %add3A_560 = arith.addf %get3A_559, %get3A_510 : vector<16xf32>
        %swap3A_561 = arith.constant 0 : i32
        %swap3A_562 = arith.constant 2 : i32
        %swap3A_563 = arith.constant 1 : i32
        %swap3A_564 = arith.index_cast %swap3A_561 : i32 to index
        %swap3A_565 = arith.index_cast %swap3A_562 : i32 to index
        %swap3A_566 = arith.index_cast %swap3A_563 : i32 to index
        %swap3A_567 = arith.index_cast %mul3A_418 : i32 to index
        %swap3A_568 = tpu.vector_load %arg6[%swap3A_564, %swap3A_565, %swap3A_566, %swap3A_567] {strides = array<i32>} : memref<4x4x2x2048xf32, #tpu.memory_space<vmem>>, vector<1x1x1x16xf32>,
        %swap3A_569 = vector.shape_cast %swap3A_568 : vector<1x1x1x16xf32> to vector<16xf32>
        %swap3A_570 = vector.shape_cast %add3A_560 : vector<16xf32> to vector<1x1x1x16xf32>
        tpu.vector_store %arg6[%swap3A_564, %swap3A_565, %swap3A_566, %swap3A_567], %swap3A_570 {strides = array<i32>} : memref<4x4x2x2048xf32, #tpu.memory_space<vmem>>, vector<1x1x1x16xf32>,
        %get3A_571 = arith.constant 0 : i32
        %get3A_572 = arith.constant 3 : i32
        %get3A_573 = arith.constant 1 : i32
        %get3A_574 = arith.index_cast %get3A_571 : i32 to index
        %get3A_575 = arith.index_cast %get3A_572 : i32 to index
        %get3A_576 = arith.index_cast %get3A_573 : i32 to index
        %get3A_577 = arith.index_cast %mul3A_418 : i32 to index
        %get3A_578 = tpu.vector_load %arg6[%get3A_574, %get3A_575, %get3A_576, %get3A_577] {strides = array<i32>} : memref<4x4x2x2048xf32, #tpu.memory_space<vmem>>, vector<1x1x1x16xf32>,
        %get3A_579 = vector.shape_cast %get3A_578 : vector<1x1x1x16xf32> to vector<16xf32>
        %add3A_580 = arith.addf %get3A_579, %get3A_510 : vector<16xf32>
        %swap3A_581 = arith.constant 0 : i32
        %swap3A_582 = arith.constant 3 : i32
        %swap3A_583 = arith.constant 1 : i32
        %swap3A_584 = arith.index_cast %swap3A_581 : i32 to index
        %swap3A_585 = arith.index_cast %swap3A_582 : i32 to index
        %swap3A_586 = arith.index_cast %swap3A_583 : i32 to index
        %swap3A_587 = arith.index_cast %mul3A_418 : i32 to index
        %swap3A_588 = tpu.vector_load %arg6[%swap3A_584, %swap3A_585, %swap3A_586, %swap3A_587] {strides = array<i32>} : memref<4x4x2x2048xf32, #tpu.memory_space<vmem>>, vector<1x1x1x16xf32>,
        %swap3A_589 = vector.shape_cast %swap3A_588 : vector<1x1x1x16xf32> to vector<16xf32>
        %swap3A_590 = vector.shape_cast %add3A_580 : vector<16xf32> to vector<1x1x1x16xf32>
        tpu.vector_store %arg6[%swap3A_584, %swap3A_585, %swap3A_586, %swap3A_587], %swap3A_590 {strides = array<i32>} : memref<4x4x2x2048xf32, #tpu.memory_space<vmem>>, vector<1x1x1x16xf32>,
      }
      %scan3A_161 = arith.constant 128 : i32
      %mul3A_162 = arith.constant 2 : i32
      %mul3A_163 = arith.muli %add3A_112, %mul3A_162 : i32
      %add3A_164 = arith.addi %mul3A_2, %mul3A_163 : i32
      %dma_start3A_165 = arith.constant 0 : i32
      %dma_start3A_166 = arith.constant 0 : i32
      %dma_start3A_167 = arith.constant 0 : i32
      %dma_start3A_168 = arith.constant 0 : i32
      %dma_start3A_169 = tpu.memref_slice %arg6[%dma_start3A_165, %dma_start3A_166, %dma_start3A_167, %dma_start3A_168] : memref<4x4x2x2048xf32, #tpu.memory_space<vmem>> -> memref<1x4x2x2048xf32, #tpu.memory_space<vmem>>
      %dma_start3A_170 = tpu.memref_squeeze %dma_start3A_169 : memref<1x4x2x2048xf32, #tpu.memory_space<vmem>> -> memref<4x2x2048xf32, #tpu.memory_space<vmem>>
      %dma_start3A_171 = arith.constant 0 : i32
      %dma_start3A_172 = arith.constant 0 : i32
      %dma_start3A_173 = tpu.memref_slice %arg4[%dma_start3A_171, %add3A_164, %dma_start3A_172] : memref<4x4096x2048xf32, #tpu.memory_space<hbm>> -> memref<4x2x2048xf32, #tpu.memory_space<hbm>>
      %dma_start3A_174 = arith.constant 0 : i32
      %dma_start3A_175 = arith.constant 0 : i32
      %dma_start3A_176 = tpu.memref_slice %arg4[%dma_start3A_174, %add3A_164, %dma_start3A_175] : memref<4x4096x2048xf32, #tpu.memory_space<hbm>> -> memref<4x2x2048xf32, #tpu.memory_space<hbm>>
      %dma_start3A_177 = arith.constant 0 : i32
      %dma_start3A_178 = arith.constant 0 : i32
      %dma_start3A_179 = arith.constant 0 : i32
      %dma_start3A_180 = tpu.memref_slice %arg6[%dma_start3A_165, %dma_start3A_177, %dma_start3A_178, %dma_start3A_179] : memref<4x4x2x2048xf32, #tpu.memory_space<vmem>> -> memref<1x4x2x2048xf32, #tpu.memory_space<vmem>>
      %dma_start3A_181 = tpu.memref_squeeze %dma_start3A_180 : memref<1x4x2x2048xf32, #tpu.memory_space<vmem>> -> memref<4x2x2048xf32, #tpu.memory_space<vmem>>
      tpu.enqueue_dma source(%dma_start3A_181 : memref<4x2x2048xf32, #tpu.memory_space<vmem>>) target(%dma_start3A_176 : memref<4x2x2048xf32, #tpu.memory_space<hbm>>) target_semaphore(%arg11 : memref<!tpu.dma_semaphore, #tpu.memory_space<semaphore_mem>>)
      %mul3A_182 = arith.constant 4 : i32
      %mul3A_183 = arith.muli %mul3A_182, %scan3A_108 : i32
      %add3A_184 = arith.constant 1 : i32
      %add3A_185 = arith.addi %mul3A_183, %add3A_184 : i32
      %sub3A_186 = arith.constant 2 : i32
      %sub3A_187 = arith.subi %add3A_185, %sub3A_186 : i32
      %ge3A_188 = arith.constant 0 : i32
      %ge3A_189 = arith.cmpi sge, %sub3A_187, %ge3A_188 : i32
      %convert_element_type3A_190 = arith.extui %ge3A_189 : i1 to i32
      %cond3A_191 = arith.constant 0 : i32
      %cond3A_192 = arith.cmpi ne, %convert_element_type3A_190, %cond3A_191 : i32
      scf.if %cond3A_192 {
        %dma_wait3A_416 = arith.constant 3 : i32
        %dma_wait3A_417 = arith.constant 0 : i32
        %dma_wait3A_418 = arith.constant 0 : i32
        %dma_wait3A_419 = arith.constant 0 : i32
        %dma_wait3A_420 = tpu.memref_slice %arg6[%dma_wait3A_416, %dma_wait3A_417, %dma_wait3A_418, %dma_wait3A_419] : memref<4x4x2x2048xf32, #tpu.memory_space<vmem>> -> memref<1x4x2x2048xf32, #tpu.memory_space<vmem>>
        %dma_wait3A_421 = tpu.memref_squeeze %dma_wait3A_420 : memref<1x4x2x2048xf32, #tpu.memory_space<vmem>> -> memref<4x2x2048xf32, #tpu.memory_space<vmem>>
        %dma_wait3A_422 = arith.constant 0 : i32
        %dma_wait3A_423 = arith.constant 0 : i32
        %dma_wait3A_424 = arith.constant 0 : i32
        %dma_wait3A_425 = tpu.memref_slice %arg4[%dma_wait3A_422, %dma_wait3A_423, %dma_wait3A_424] : memref<4x4096x2048xf32, #tpu.memory_space<hbm>> -> memref<4x2x2048xf32, #tpu.memory_space<hbm>>
        %dma_wait3A_426 = arith.constant 0 : i32
        %dma_wait3A_427 = arith.constant 0 : i32
        %dma_wait3A_428 = arith.constant 0 : i32
        %dma_wait3A_429 = tpu.memref_slice %arg4[%dma_wait3A_426, %dma_wait3A_427, %dma_wait3A_428] : memref<4x4096x2048xf32, #tpu.memory_space<hbm>> -> memref<4x2x2048xf32, #tpu.memory_space<hbm>>
        %dma_wait3A_430 = arith.constant 0 : i32
        %dma_wait3A_431 = arith.constant 0 : i32
        %dma_wait3A_432 = arith.constant 0 : i32
        %dma_wait3A_433 = tpu.memref_slice %arg6[%dma_wait3A_416, %dma_wait3A_430, %dma_wait3A_431, %dma_wait3A_432] : memref<4x4x2x2048xf32, #tpu.memory_space<vmem>> -> memref<1x4x2x2048xf32, #tpu.memory_space<vmem>>
        %dma_wait3A_434 = tpu.memref_squeeze %dma_wait3A_433 : memref<1x4x2x2048xf32, #tpu.memory_space<vmem>> -> memref<4x2x2048xf32, #tpu.memory_space<vmem>>
        tpu.wait_dma2 semaphore(%arg14 : memref<!tpu.dma_semaphore, #tpu.memory_space<semaphore_mem>>) src(%dma_wait3A_434 : memref<4x2x2048xf32, #tpu.memory_space<vmem>>) dst(%dma_wait3A_429 : memref<4x2x2048xf32, #tpu.memory_space<hbm>>)
      } else {
      }
      %add3A_193 = arith.constant 2 : i32
      %add3A_194 = arith.addi %add3A_185, %add3A_193 : i32
      %lt3A_195 = arith.constant 64 : i32
      %lt3A_196 = arith.cmpi slt, %add3A_194, %lt3A_195 : i32
      %convert_element_type3A_197 = arith.extui %lt3A_196 : i1 to i32
      %cond3A_198 = arith.constant 0 : i32
      %cond3A_199 = arith.cmpi ne, %convert_element_type3A_197, %cond3A_198 : i32
      scf.if %cond3A_199 {
        %add3A_416 = arith.constant 2 : i32
        %add3A_417 = arith.addi %add3A_185, %add3A_416 : i32
        %mul3A_418 = arith.constant 2 : i32
        %mul3A_419 = arith.muli %add3A_417, %mul3A_418 : i32
        %add3A_420 = arith.addi %mul3A_2, %mul3A_419 : i32
        %dma_start3A_421 = arith.constant 3 : i32
        %dma_start3A_422 = arith.constant 0 : i32
        %dma_start3A_423 = arith.constant 0 : i32
        %dma_start3A_424 = tpu.memref_slice %arg5[%dma_start3A_421, %dma_start3A_422, %dma_start3A_423] : memref<4x2x2048xf32, #tpu.memory_space<vmem>> -> memref<1x2x2048xf32, #tpu.memory_space<vmem>>
        %dma_start3A_425 = tpu.memref_squeeze %dma_start3A_424 : memref<1x2x2048xf32, #tpu.memory_space<vmem>> -> memref<2x2048xf32, #tpu.memory_space<vmem>>
        %dma_start3A_426 = arith.constant 0 : i32
        %dma_start3A_427 = tpu.memref_slice %arg3[%add3A_420, %dma_start3A_426] : memref<8192x2048xf32, #tpu.memory_space<hbm>> -> memref<2x2048xf32, #tpu.memory_space<hbm>>
        %dma_start3A_428 = arith.constant 0 : i32
        %dma_start3A_429 = arith.constant 0 : i32
        %dma_start3A_430 = tpu.memref_slice %arg5[%dma_start3A_421, %dma_start3A_428, %dma_start3A_429] : memref<4x2x2048xf32, #tpu.memory_space<vmem>> -> memref<1x2x2048xf32, #tpu.memory_space<vmem>>
        %dma_start3A_431 = tpu.memref_squeeze %dma_start3A_430 : memref<1x2x2048xf32, #tpu.memory_space<vmem>> -> memref<2x2048xf32, #tpu.memory_space<vmem>>
        %dma_start3A_432 = arith.constant 0 : i32
        %dma_start3A_433 = tpu.memref_slice %arg3[%add3A_420, %dma_start3A_432] : memref<8192x2048xf32, #tpu.memory_space<hbm>> -> memref<2x2048xf32, #tpu.memory_space<hbm>>
        tpu.enqueue_dma source(%dma_start3A_433 : memref<2x2048xf32, #tpu.memory_space<hbm>>) target(%dma_start3A_431 : memref<2x2048xf32, #tpu.memory_space<vmem>>) target_semaphore(%arg10 : memref<!tpu.dma_semaphore, #tpu.memory_space<semaphore_mem>>)
        %dma_start3A_434 = arith.constant 3 : i32
        %dma_start3A_435 = arith.constant 0 : i32
        %dma_start3A_436 = arith.constant 0 : i32
        %dma_start3A_437 = arith.constant 0 : i32
        %dma_start3A_438 = tpu.memref_slice %arg6[%dma_start3A_434, %dma_start3A_435, %dma_start3A_436, %dma_start3A_437] : memref<4x4x2x2048xf32, #tpu.memory_space<vmem>> -> memref<1x4x2x2048xf32, #tpu.memory_space<vmem>>
        %dma_start3A_439 = tpu.memref_squeeze %dma_start3A_438 : memref<1x4x2x2048xf32, #tpu.memory_space<vmem>> -> memref<4x2x2048xf32, #tpu.memory_space<vmem>>
        %dma_start3A_440 = arith.constant 0 : i32
        %dma_start3A_441 = arith.constant 0 : i32
        %dma_start3A_442 = tpu.memref_slice %arg2[%dma_start3A_440, %add3A_420, %dma_start3A_441] : memref<4x4096x2048xf32, #tpu.memory_space<hbm>> -> memref<4x2x2048xf32, #tpu.memory_space<hbm>>
        %dma_start3A_443 = arith.constant 0 : i32
        %dma_start3A_444 = arith.constant 0 : i32
        %dma_start3A_445 = arith.constant 0 : i32
        %dma_start3A_446 = tpu.memref_slice %arg6[%dma_start3A_434, %dma_start3A_443, %dma_start3A_444, %dma_start3A_445] : memref<4x4x2x2048xf32, #tpu.memory_space<vmem>> -> memref<1x4x2x2048xf32, #tpu.memory_space<vmem>>
        %dma_start3A_447 = tpu.memref_squeeze %dma_start3A_446 : memref<1x4x2x2048xf32, #tpu.memory_space<vmem>> -> memref<4x2x2048xf32, #tpu.memory_space<vmem>>
        %dma_start3A_448 = arith.constant 0 : i32
        %dma_start3A_449 = arith.constant 0 : i32
        %dma_start3A_450 = tpu.memref_slice %arg2[%dma_start3A_448, %add3A_420, %dma_start3A_449] : memref<4x4096x2048xf32, #tpu.memory_space<hbm>> -> memref<4x2x2048xf32, #tpu.memory_space<hbm>>
        tpu.enqueue_dma source(%dma_start3A_450 : memref<4x2x2048xf32, #tpu.memory_space<hbm>>) target(%dma_start3A_447 : memref<4x2x2048xf32, #tpu.memory_space<vmem>>) target_semaphore(%arg10 : memref<!tpu.dma_semaphore, #tpu.memory_space<semaphore_mem>>)
      } else {
      }
      %dma_wait3A_200 = arith.constant 1 : i32
      %dma_wait3A_201 = arith.constant 0 : i32
      %dma_wait3A_202 = arith.constant 0 : i32
      %dma_wait3A_203 = tpu.memref_slice %arg5[%dma_wait3A_200, %dma_wait3A_201, %dma_wait3A_202] : memref<4x2x2048xf32, #tpu.memory_space<vmem>> -> memref<1x2x2048xf32, #tpu.memory_space<vmem>>
      %dma_wait3A_204 = tpu.memref_squeeze %dma_wait3A_203 : memref<1x2x2048xf32, #tpu.memory_space<vmem>> -> memref<2x2048xf32, #tpu.memory_space<vmem>>
      %dma_wait3A_205 = arith.constant 0 : i32
      %dma_wait3A_206 = arith.constant 0 : i32
      %dma_wait3A_207 = tpu.memref_slice %arg3[%dma_wait3A_205, %dma_wait3A_206] : memref<8192x2048xf32, #tpu.memory_space<hbm>> -> memref<2x2048xf32, #tpu.memory_space<hbm>>
      %dma_wait3A_208 = arith.constant 0 : i32
      %dma_wait3A_209 = arith.constant 0 : i32
      %dma_wait3A_210 = tpu.memref_slice %arg5[%dma_wait3A_200, %dma_wait3A_208, %dma_wait3A_209] : memref<4x2x2048xf32, #tpu.memory_space<vmem>> -> memref<1x2x2048xf32, #tpu.memory_space<vmem>>
      %dma_wait3A_211 = tpu.memref_squeeze %dma_wait3A_210 : memref<1x2x2048xf32, #tpu.memory_space<vmem>> -> memref<2x2048xf32, #tpu.memory_space<vmem>>
      %dma_wait3A_212 = arith.constant 0 : i32
      %dma_wait3A_213 = arith.constant 0 : i32
      %dma_wait3A_214 = tpu.memref_slice %arg3[%dma_wait3A_212, %dma_wait3A_213] : memref<8192x2048xf32, #tpu.memory_space<hbm>> -> memref<2x2048xf32, #tpu.memory_space<hbm>>
      tpu.wait_dma2 semaphore(%arg8 : memref<!tpu.dma_semaphore, #tpu.memory_space<semaphore_mem>>) src(%dma_wait3A_214 : memref<2x2048xf32, #tpu.memory_space<hbm>>) dst(%dma_wait3A_211 : memref<2x2048xf32, #tpu.memory_space<vmem>>)
      %dma_wait3A_215 = arith.constant 1 : i32
      %dma_wait3A_216 = arith.constant 0 : i32
      %dma_wait3A_217 = arith.constant 0 : i32
      %dma_wait3A_218 = arith.constant 0 : i32
      %dma_wait3A_219 = tpu.memref_slice %arg6[%dma_wait3A_215, %dma_wait3A_216, %dma_wait3A_217, %dma_wait3A_218] : memref<4x4x2x2048xf32, #tpu.memory_space<vmem>> -> memref<1x4x2x2048xf32, #tpu.memory_space<vmem>>
      %dma_wait3A_220 = tpu.memref_squeeze %dma_wait3A_219 : memref<1x4x2x2048xf32, #tpu.memory_space<vmem>> -> memref<4x2x2048xf32, #tpu.memory_space<vmem>>
      %dma_wait3A_221 = arith.constant 0 : i32
      %dma_wait3A_222 = arith.constant 0 : i32
      %dma_wait3A_223 = arith.constant 0 : i32
      %dma_wait3A_224 = tpu.memref_slice %arg2[%dma_wait3A_221, %dma_wait3A_222, %dma_wait3A_223] : memref<4x4096x2048xf32, #tpu.memory_space<hbm>> -> memref<4x2x2048xf32, #tpu.memory_space<hbm>>
      %dma_wait3A_225 = arith.constant 0 : i32
      %dma_wait3A_226 = arith.constant 0 : i32
      %dma_wait3A_227 = arith.constant 0 : i32
      %dma_wait3A_228 = tpu.memref_slice %arg6[%dma_wait3A_215, %dma_wait3A_225, %dma_wait3A_226, %dma_wait3A_227] : memref<4x4x2x2048xf32, #tpu.memory_space<vmem>> -> memref<1x4x2x2048xf32, #tpu.memory_space<vmem>>
      %dma_wait3A_229 = tpu.memref_squeeze %dma_wait3A_228 : memref<1x4x2x2048xf32, #tpu.memory_space<vmem>> -> memref<4x2x2048xf32, #tpu.memory_space<vmem>>
      %dma_wait3A_230 = arith.constant 0 : i32
      %dma_wait3A_231 = arith.constant 0 : i32
      %dma_wait3A_232 = arith.constant 0 : i32
      %dma_wait3A_233 = tpu.memref_slice %arg2[%dma_wait3A_230, %dma_wait3A_231, %dma_wait3A_232] : memref<4x4096x2048xf32, #tpu.memory_space<hbm>> -> memref<4x2x2048xf32, #tpu.memory_space<hbm>>
      tpu.wait_dma2 semaphore(%arg8 : memref<!tpu.dma_semaphore, #tpu.memory_space<semaphore_mem>>) src(%dma_wait3A_233 : memref<4x2x2048xf32, #tpu.memory_space<hbm>>) dst(%dma_wait3A_229 : memref<4x2x2048xf32, #tpu.memory_space<vmem>>)
      %scan3A_234 = arith.constant 0 : i32
      %scan3A_235 = arith.constant 0 : i32
      %scan3A_236 = arith.constant 128 : i32
      %scan3A_237 = arith.addi %scan3A_235, %scan3A_236 : i32
      %scan3A_238 = arith.constant 1 : i32
      scf.for %scan3A_416 = %scan3A_235 to %scan3A_237 step %scan3A_238  : i32 {
        %mul3A_417 = arith.constant 16 : i32
        %mul3A_418 = arith.muli %scan3A_416, %mul3A_417 : i32
        %get3A = arith.constant 1 : i32
        %get3A_419 = arith.constant 0 : i32
        %get3A_420 = arith.index_cast %get3A : i32 to index
        %get3A_421 = arith.index_cast %get3A_419 : i32 to index
        %get3A_422 = arith.index_cast %mul3A_418 : i32 to index
        %get3A_423 = tpu.vector_load %arg5[%get3A_420, %get3A_421, %get3A_422] {strides = array<i32>} : memref<4x2x2048xf32, #tpu.memory_space<vmem>>, vector<1x1x16xf32>,
        %get3A_424 = vector.shape_cast %get3A_423 : vector<1x1x16xf32> to vector<16xf32>
        %get3A_425 = arith.constant 1 : i32
        %get3A_426 = arith.constant 0 : i32
        %get3A_427 = arith.constant 0 : i32
        %get3A_428 = arith.index_cast %get3A_425 : i32 to index
        %get3A_429 = arith.index_cast %get3A_426 : i32 to index
        %get3A_430 = arith.index_cast %get3A_427 : i32 to index
        %get3A_431 = arith.index_cast %mul3A_418 : i32 to index
        %get3A_432 = tpu.vector_load %arg6[%get3A_428, %get3A_429, %get3A_430, %get3A_431] {strides = array<i32>} : memref<4x4x2x2048xf32, #tpu.memory_space<vmem>>, vector<1x1x1x16xf32>,
        %get3A_433 = vector.shape_cast %get3A_432 : vector<1x1x1x16xf32> to vector<16xf32>
        %add3A_434 = arith.addf %get3A_433, %get3A_424 : vector<16xf32>
        %swap3A = arith.constant 1 : i32
        %swap3A_435 = arith.constant 0 : i32
        %swap3A_436 = arith.constant 0 : i32
        %swap3A_437 = arith.index_cast %swap3A : i32 to index
        %swap3A_438 = arith.index_cast %swap3A_435 : i32 to index
        %swap3A_439 = arith.index_cast %swap3A_436 : i32 to index
        %swap3A_440 = arith.index_cast %mul3A_418 : i32 to index
        %swap3A_441 = tpu.vector_load %arg6[%swap3A_437, %swap3A_438, %swap3A_439, %swap3A_440] {strides = array<i32>} : memref<4x4x2x2048xf32, #tpu.memory_space<vmem>>, vector<1x1x1x16xf32>,
        %swap3A_442 = vector.shape_cast %swap3A_441 : vector<1x1x1x16xf32> to vector<16xf32>
        %swap3A_443 = vector.shape_cast %add3A_434 : vector<16xf32> to vector<1x1x1x16xf32>
        tpu.vector_store %arg6[%swap3A_437, %swap3A_438, %swap3A_439, %swap3A_440], %swap3A_443 {strides = array<i32>} : memref<4x4x2x2048xf32, #tpu.memory_space<vmem>>, vector<1x1x1x16xf32>,
        %get3A_444 = arith.constant 1 : i32
        %get3A_445 = arith.constant 1 : i32
        %get3A_446 = arith.constant 0 : i32
        %get3A_447 = arith.index_cast %get3A_444 : i32 to index
        %get3A_448 = arith.index_cast %get3A_445 : i32 to index
        %get3A_449 = arith.index_cast %get3A_446 : i32 to index
        %get3A_450 = arith.index_cast %mul3A_418 : i32 to index
        %get3A_451 = tpu.vector_load %arg6[%get3A_447, %get3A_448, %get3A_449, %get3A_450] {strides = array<i32>} : memref<4x4x2x2048xf32, #tpu.memory_space<vmem>>, vector<1x1x1x16xf32>,
        %get3A_452 = vector.shape_cast %get3A_451 : vector<1x1x1x16xf32> to vector<16xf32>
        %add3A_453 = arith.addf %get3A_452, %get3A_424 : vector<16xf32>
        %swap3A_454 = arith.constant 1 : i32
        %swap3A_455 = arith.constant 1 : i32
        %swap3A_456 = arith.constant 0 : i32
        %swap3A_457 = arith.index_cast %swap3A_454 : i32 to index
        %swap3A_458 = arith.index_cast %swap3A_455 : i32 to index
        %swap3A_459 = arith.index_cast %swap3A_456 : i32 to index
        %swap3A_460 = arith.index_cast %mul3A_418 : i32 to index
        %swap3A_461 = tpu.vector_load %arg6[%swap3A_457, %swap3A_458, %swap3A_459, %swap3A_460] {strides = array<i32>} : memref<4x4x2x2048xf32, #tpu.memory_space<vmem>>, vector<1x1x1x16xf32>,
        %swap3A_462 = vector.shape_cast %swap3A_461 : vector<1x1x1x16xf32> to vector<16xf32>
        %swap3A_463 = vector.shape_cast %add3A_453 : vector<16xf32> to vector<1x1x1x16xf32>
        tpu.vector_store %arg6[%swap3A_457, %swap3A_458, %swap3A_459, %swap3A_460], %swap3A_463 {strides = array<i32>} : memref<4x4x2x2048xf32, #tpu.memory_space<vmem>>, vector<1x1x1x16xf32>,
        %get3A_464 = arith.constant 1 : i32
        %get3A_465 = arith.constant 2 : i32
        %get3A_466 = arith.constant 0 : i32
        %get3A_467 = arith.index_cast %get3A_464 : i32 to index
        %get3A_468 = arith.index_cast %get3A_465 : i32 to index
        %get3A_469 = arith.index_cast %get3A_466 : i32 to index
        %get3A_470 = arith.index_cast %mul3A_418 : i32 to index
        %get3A_471 = tpu.vector_load %arg6[%get3A_467, %get3A_468, %get3A_469, %get3A_470] {strides = array<i32>} : memref<4x4x2x2048xf32, #tpu.memory_space<vmem>>, vector<1x1x1x16xf32>,
        %get3A_472 = vector.shape_cast %get3A_471 : vector<1x1x1x16xf32> to vector<16xf32>
        %add3A_473 = arith.addf %get3A_472, %get3A_424 : vector<16xf32>
        %swap3A_474 = arith.constant 1 : i32
        %swap3A_475 = arith.constant 2 : i32
        %swap3A_476 = arith.constant 0 : i32
        %swap3A_477 = arith.index_cast %swap3A_474 : i32 to index
        %swap3A_478 = arith.index_cast %swap3A_475 : i32 to index
        %swap3A_479 = arith.index_cast %swap3A_476 : i32 to index
        %swap3A_480 = arith.index_cast %mul3A_418 : i32 to index
        %swap3A_481 = tpu.vector_load %arg6[%swap3A_477, %swap3A_478, %swap3A_479, %swap3A_480] {strides = array<i32>} : memref<4x4x2x2048xf32, #tpu.memory_space<vmem>>, vector<1x1x1x16xf32>,
        %swap3A_482 = vector.shape_cast %swap3A_481 : vector<1x1x1x16xf32> to vector<16xf32>
        %swap3A_483 = vector.shape_cast %add3A_473 : vector<16xf32> to vector<1x1x1x16xf32>
        tpu.vector_store %arg6[%swap3A_477, %swap3A_478, %swap3A_479, %swap3A_480], %swap3A_483 {strides = array<i32>} : memref<4x4x2x2048xf32, #tpu.memory_space<vmem>>, vector<1x1x1x16xf32>,
        %get3A_484 = arith.constant 1 : i32
        %get3A_485 = arith.constant 3 : i32
        %get3A_486 = arith.constant 0 : i32
        %get3A_487 = arith.index_cast %get3A_484 : i32 to index
        %get3A_488 = arith.index_cast %get3A_485 : i32 to index
        %get3A_489 = arith.index_cast %get3A_486 : i32 to index
        %get3A_490 = arith.index_cast %mul3A_418 : i32 to index
        %get3A_491 = tpu.vector_load %arg6[%get3A_487, %get3A_488, %get3A_489, %get3A_490] {strides = array<i32>} : memref<4x4x2x2048xf32, #tpu.memory_space<vmem>>, vector<1x1x1x16xf32>,
        %get3A_492 = vector.shape_cast %get3A_491 : vector<1x1x1x16xf32> to vector<16xf32>
        %add3A_493 = arith.addf %get3A_492, %get3A_424 : vector<16xf32>
        %swap3A_494 = arith.constant 1 : i32
        %swap3A_495 = arith.constant 3 : i32
        %swap3A_496 = arith.constant 0 : i32
        %swap3A_497 = arith.index_cast %swap3A_494 : i32 to index
        %swap3A_498 = arith.index_cast %swap3A_495 : i32 to index
        %swap3A_499 = arith.index_cast %swap3A_496 : i32 to index
        %swap3A_500 = arith.index_cast %mul3A_418 : i32 to index
        %swap3A_501 = tpu.vector_load %arg6[%swap3A_497, %swap3A_498, %swap3A_499, %swap3A_500] {strides = array<i32>} : memref<4x4x2x2048xf32, #tpu.memory_space<vmem>>, vector<1x1x1x16xf32>,
        %swap3A_502 = vector.shape_cast %swap3A_501 : vector<1x1x1x16xf32> to vector<16xf32>
        %swap3A_503 = vector.shape_cast %add3A_493 : vector<16xf32> to vector<1x1x1x16xf32>
        tpu.vector_store %arg6[%swap3A_497, %swap3A_498, %swap3A_499, %swap3A_500], %swap3A_503 {strides = array<i32>} : memref<4x4x2x2048xf32, #tpu.memory_space<vmem>>, vector<1x1x1x16xf32>,
        %get3A_504 = arith.constant 1 : i32
        %get3A_505 = arith.constant 1 : i32
        %get3A_506 = arith.index_cast %get3A_504 : i32 to index
        %get3A_507 = arith.index_cast %get3A_505 : i32 to index
        %get3A_508 = arith.index_cast %mul3A_418 : i32 to index
        %get3A_509 = tpu.vector_load %arg5[%get3A_506, %get3A_507, %get3A_508] {strides = array<i32>} : memref<4x2x2048xf32, #tpu.memory_space<vmem>>, vector<1x1x16xf32>,
        %get3A_510 = vector.shape_cast %get3A_509 : vector<1x1x16xf32> to vector<16xf32>
        %get3A_511 = arith.constant 1 : i32
        %get3A_512 = arith.constant 0 : i32
        %get3A_513 = arith.constant 1 : i32
        %get3A_514 = arith.index_cast %get3A_511 : i32 to index
        %get3A_515 = arith.index_cast %get3A_512 : i32 to index
        %get3A_516 = arith.index_cast %get3A_513 : i32 to index
        %get3A_517 = arith.index_cast %mul3A_418 : i32 to index
        %get3A_518 = tpu.vector_load %arg6[%get3A_514, %get3A_515, %get3A_516, %get3A_517] {strides = array<i32>} : memref<4x4x2x2048xf32, #tpu.memory_space<vmem>>, vector<1x1x1x16xf32>,
        %get3A_519 = vector.shape_cast %get3A_518 : vector<1x1x1x16xf32> to vector<16xf32>
        %add3A_520 = arith.addf %get3A_519, %get3A_510 : vector<16xf32>
        %swap3A_521 = arith.constant 1 : i32
        %swap3A_522 = arith.constant 0 : i32
        %swap3A_523 = arith.constant 1 : i32
        %swap3A_524 = arith.index_cast %swap3A_521 : i32 to index
        %swap3A_525 = arith.index_cast %swap3A_522 : i32 to index
        %swap3A_526 = arith.index_cast %swap3A_523 : i32 to index
        %swap3A_527 = arith.index_cast %mul3A_418 : i32 to index
        %swap3A_528 = tpu.vector_load %arg6[%swap3A_524, %swap3A_525, %swap3A_526, %swap3A_527] {strides = array<i32>} : memref<4x4x2x2048xf32, #tpu.memory_space<vmem>>, vector<1x1x1x16xf32>,
        %swap3A_529 = vector.shape_cast %swap3A_528 : vector<1x1x1x16xf32> to vector<16xf32>
        %swap3A_530 = vector.shape_cast %add3A_520 : vector<16xf32> to vector<1x1x1x16xf32>
        tpu.vector_store %arg6[%swap3A_524, %swap3A_525, %swap3A_526, %swap3A_527], %swap3A_530 {strides = array<i32>} : memref<4x4x2x2048xf32, #tpu.memory_space<vmem>>, vector<1x1x1x16xf32>,
        %get3A_531 = arith.constant 1 : i32
        %get3A_532 = arith.constant 1 : i32
        %get3A_533 = arith.constant 1 : i32
        %get3A_534 = arith.index_cast %get3A_531 : i32 to index
        %get3A_535 = arith.index_cast %get3A_532 : i32 to index
        %get3A_536 = arith.index_cast %get3A_533 : i32 to index
        %get3A_537 = arith.index_cast %mul3A_418 : i32 to index
        %get3A_538 = tpu.vector_load %arg6[%get3A_534, %get3A_535, %get3A_536, %get3A_537] {strides = array<i32>} : memref<4x4x2x2048xf32, #tpu.memory_space<vmem>>, vector<1x1x1x16xf32>,
        %get3A_539 = vector.shape_cast %get3A_538 : vector<1x1x1x16xf32> to vector<16xf32>
        %add3A_540 = arith.addf %get3A_539, %get3A_510 : vector<16xf32>
        %swap3A_541 = arith.constant 1 : i32
        %swap3A_542 = arith.constant 1 : i32
        %swap3A_543 = arith.constant 1 : i32
        %swap3A_544 = arith.index_cast %swap3A_541 : i32 to index
        %swap3A_545 = arith.index_cast %swap3A_542 : i32 to index
        %swap3A_546 = arith.index_cast %swap3A_543 : i32 to index
        %swap3A_547 = arith.index_cast %mul3A_418 : i32 to index
        %swap3A_548 = tpu.vector_load %arg6[%swap3A_544, %swap3A_545, %swap3A_546, %swap3A_547] {strides = array<i32>} : memref<4x4x2x2048xf32, #tpu.memory_space<vmem>>, vector<1x1x1x16xf32>,
        %swap3A_549 = vector.shape_cast %swap3A_548 : vector<1x1x1x16xf32> to vector<16xf32>
        %swap3A_550 = vector.shape_cast %add3A_540 : vector<16xf32> to vector<1x1x1x16xf32>
        tpu.vector_store %arg6[%swap3A_544, %swap3A_545, %swap3A_546, %swap3A_547], %swap3A_550 {strides = array<i32>} : memref<4x4x2x2048xf32, #tpu.memory_space<vmem>>, vector<1x1x1x16xf32>,
        %get3A_551 = arith.constant 1 : i32
        %get3A_552 = arith.constant 2 : i32
        %get3A_553 = arith.constant 1 : i32
        %get3A_554 = arith.index_cast %get3A_551 : i32 to index
        %get3A_555 = arith.index_cast %get3A_552 : i32 to index
        %get3A_556 = arith.index_cast %get3A_553 : i32 to index
        %get3A_557 = arith.index_cast %mul3A_418 : i32 to index
        %get3A_558 = tpu.vector_load %arg6[%get3A_554, %get3A_555, %get3A_556, %get3A_557] {strides = array<i32>} : memref<4x4x2x2048xf32, #tpu.memory_space<vmem>>, vector<1x1x1x16xf32>,
        %get3A_559 = vector.shape_cast %get3A_558 : vector<1x1x1x16xf32> to vector<16xf32>
        %add3A_560 = arith.addf %get3A_559, %get3A_510 : vector<16xf32>
        %swap3A_561 = arith.constant 1 : i32
        %swap3A_562 = arith.constant 2 : i32
        %swap3A_563 = arith.constant 1 : i32
        %swap3A_564 = arith.index_cast %swap3A_561 : i32 to index
        %swap3A_565 = arith.index_cast %swap3A_562 : i32 to index
        %swap3A_566 = arith.index_cast %swap3A_563 : i32 to index
        %swap3A_567 = arith.index_cast %mul3A_418 : i32 to index
        %swap3A_568 = tpu.vector_load %arg6[%swap3A_564, %swap3A_565, %swap3A_566, %swap3A_567] {strides = array<i32>} : memref<4x4x2x2048xf32, #tpu.memory_space<vmem>>, vector<1x1x1x16xf32>,
        %swap3A_569 = vector.shape_cast %swap3A_568 : vector<1x1x1x16xf32> to vector<16xf32>
        %swap3A_570 = vector.shape_cast %add3A_560 : vector<16xf32> to vector<1x1x1x16xf32>
        tpu.vector_store %arg6[%swap3A_564, %swap3A_565, %swap3A_566, %swap3A_567], %swap3A_570 {strides = array<i32>} : memref<4x4x2x2048xf32, #tpu.memory_space<vmem>>, vector<1x1x1x16xf32>,
        %get3A_571 = arith.constant 1 : i32
        %get3A_572 = arith.constant 3 : i32
        %get3A_573 = arith.constant 1 : i32
        %get3A_574 = arith.index_cast %get3A_571 : i32 to index
        %get3A_575 = arith.index_cast %get3A_572 : i32 to index
        %get3A_576 = arith.index_cast %get3A_573 : i32 to index
        %get3A_577 = arith.index_cast %mul3A_418 : i32 to index
        %get3A_578 = tpu.vector_load %arg6[%get3A_574, %get3A_575, %get3A_576, %get3A_577] {strides = array<i32>} : memref<4x4x2x2048xf32, #tpu.memory_space<vmem>>, vector<1x1x1x16xf32>,
        %get3A_579 = vector.shape_cast %get3A_578 : vector<1x1x1x16xf32> to vector<16xf32>
        %add3A_580 = arith.addf %get3A_579, %get3A_510 : vector<16xf32>
        %swap3A_581 = arith.constant 1 : i32
        %swap3A_582 = arith.constant 3 : i32
        %swap3A_583 = arith.constant 1 : i32
        %swap3A_584 = arith.index_cast %swap3A_581 : i32 to index
        %swap3A_585 = arith.index_cast %swap3A_582 : i32 to index
        %swap3A_586 = arith.index_cast %swap3A_583 : i32 to index
        %swap3A_587 = arith.index_cast %mul3A_418 : i32 to index
        %swap3A_588 = tpu.vector_load %arg6[%swap3A_584, %swap3A_585, %swap3A_586, %swap3A_587] {strides = array<i32>} : memref<4x4x2x2048xf32, #tpu.memory_space<vmem>>, vector<1x1x1x16xf32>,
        %swap3A_589 = vector.shape_cast %swap3A_588 : vector<1x1x1x16xf32> to vector<16xf32>
        %swap3A_590 = vector.shape_cast %add3A_580 : vector<16xf32> to vector<1x1x1x16xf32>
        tpu.vector_store %arg6[%swap3A_584, %swap3A_585, %swap3A_586, %swap3A_587], %swap3A_590 {strides = array<i32>} : memref<4x4x2x2048xf32, #tpu.memory_space<vmem>>, vector<1x1x1x16xf32>,
      }
      %scan3A_239 = arith.constant 128 : i32
      %mul3A_240 = arith.constant 2 : i32
      %mul3A_241 = arith.muli %add3A_185, %mul3A_240 : i32
      %add3A_242 = arith.addi %mul3A_2, %mul3A_241 : i32
      %dma_start3A_243 = arith.constant 1 : i32
      %dma_start3A_244 = arith.constant 0 : i32
      %dma_start3A_245 = arith.constant 0 : i32
      %dma_start3A_246 = arith.constant 0 : i32
      %dma_start3A_247 = tpu.memref_slice %arg6[%dma_start3A_243, %dma_start3A_244, %dma_start3A_245, %dma_start3A_246] : memref<4x4x2x2048xf32, #tpu.memory_space<vmem>> -> memref<1x4x2x2048xf32, #tpu.memory_space<vmem>>
      %dma_start3A_248 = tpu.memref_squeeze %dma_start3A_247 : memref<1x4x2x2048xf32, #tpu.memory_space<vmem>> -> memref<4x2x2048xf32, #tpu.memory_space<vmem>>
      %dma_start3A_249 = arith.constant 0 : i32
      %dma_start3A_250 = arith.constant 0 : i32
      %dma_start3A_251 = tpu.memref_slice %arg4[%dma_start3A_249, %add3A_242, %dma_start3A_250] : memref<4x4096x2048xf32, #tpu.memory_space<hbm>> -> memref<4x2x2048xf32, #tpu.memory_space<hbm>>
      %dma_start3A_252 = arith.constant 0 : i32
      %dma_start3A_253 = arith.constant 0 : i32
      %dma_start3A_254 = tpu.memref_slice %arg4[%dma_start3A_252, %add3A_242, %dma_start3A_253] : memref<4x4096x2048xf32, #tpu.memory_space<hbm>> -> memref<4x2x2048xf32, #tpu.memory_space<hbm>>
      %dma_start3A_255 = arith.constant 0 : i32
      %dma_start3A_256 = arith.constant 0 : i32
      %dma_start3A_257 = arith.constant 0 : i32
      %dma_start3A_258 = tpu.memref_slice %arg6[%dma_start3A_243, %dma_start3A_255, %dma_start3A_256, %dma_start3A_257] : memref<4x4x2x2048xf32, #tpu.memory_space<vmem>> -> memref<1x4x2x2048xf32, #tpu.memory_space<vmem>>
      %dma_start3A_259 = tpu.memref_squeeze %dma_start3A_258 : memref<1x4x2x2048xf32, #tpu.memory_space<vmem>> -> memref<4x2x2048xf32, #tpu.memory_space<vmem>>
      tpu.enqueue_dma source(%dma_start3A_259 : memref<4x2x2048xf32, #tpu.memory_space<vmem>>) target(%dma_start3A_254 : memref<4x2x2048xf32, #tpu.memory_space<hbm>>) target_semaphore(%arg12 : memref<!tpu.dma_semaphore, #tpu.memory_space<semaphore_mem>>)
      %mul3A_260 = arith.constant 4 : i32
      %mul3A_261 = arith.muli %mul3A_260, %scan3A_108 : i32
      %add3A_262 = arith.constant 2 : i32
      %add3A_263 = arith.addi %mul3A_261, %add3A_262 : i32
      %sub3A_264 = arith.constant 2 : i32
      %sub3A_265 = arith.subi %add3A_263, %sub3A_264 : i32
      %ge3A_266 = arith.constant 0 : i32
      %ge3A_267 = arith.cmpi sge, %sub3A_265, %ge3A_266 : i32
      %convert_element_type3A_268 = arith.extui %ge3A_267 : i1 to i32
      %cond3A_269 = arith.constant 0 : i32
      %cond3A_270 = arith.cmpi ne, %convert_element_type3A_268, %cond3A_269 : i32
      scf.if %cond3A_270 {
        %dma_wait3A_416 = arith.constant 0 : i32
        %dma_wait3A_417 = arith.constant 0 : i32
        %dma_wait3A_418 = arith.constant 0 : i32
        %dma_wait3A_419 = arith.constant 0 : i32
        %dma_wait3A_420 = tpu.memref_slice %arg6[%dma_wait3A_416, %dma_wait3A_417, %dma_wait3A_418, %dma_wait3A_419] : memref<4x4x2x2048xf32, #tpu.memory_space<vmem>> -> memref<1x4x2x2048xf32, #tpu.memory_space<vmem>>
        %dma_wait3A_421 = tpu.memref_squeeze %dma_wait3A_420 : memref<1x4x2x2048xf32, #tpu.memory_space<vmem>> -> memref<4x2x2048xf32, #tpu.memory_space<vmem>>
        %dma_wait3A_422 = arith.constant 0 : i32
        %dma_wait3A_423 = arith.constant 0 : i32
        %dma_wait3A_424 = arith.constant 0 : i32
        %dma_wait3A_425 = tpu.memref_slice %arg4[%dma_wait3A_422, %dma_wait3A_423, %dma_wait3A_424] : memref<4x4096x2048xf32, #tpu.memory_space<hbm>> -> memref<4x2x2048xf32, #tpu.memory_space<hbm>>
        %dma_wait3A_426 = arith.constant 0 : i32
        %dma_wait3A_427 = arith.constant 0 : i32
        %dma_wait3A_428 = arith.constant 0 : i32
        %dma_wait3A_429 = tpu.memref_slice %arg4[%dma_wait3A_426, %dma_wait3A_427, %dma_wait3A_428] : memref<4x4096x2048xf32, #tpu.memory_space<hbm>> -> memref<4x2x2048xf32, #tpu.memory_space<hbm>>
        %dma_wait3A_430 = arith.constant 0 : i32
        %dma_wait3A_431 = arith.constant 0 : i32
        %dma_wait3A_432 = arith.constant 0 : i32
        %dma_wait3A_433 = tpu.memref_slice %arg6[%dma_wait3A_416, %dma_wait3A_430, %dma_wait3A_431, %dma_wait3A_432] : memref<4x4x2x2048xf32, #tpu.memory_space<vmem>> -> memref<1x4x2x2048xf32, #tpu.memory_space<vmem>>
        %dma_wait3A_434 = tpu.memref_squeeze %dma_wait3A_433 : memref<1x4x2x2048xf32, #tpu.memory_space<vmem>> -> memref<4x2x2048xf32, #tpu.memory_space<vmem>>
        tpu.wait_dma2 semaphore(%arg11 : memref<!tpu.dma_semaphore, #tpu.memory_space<semaphore_mem>>) src(%dma_wait3A_434 : memref<4x2x2048xf32, #tpu.memory_space<vmem>>) dst(%dma_wait3A_429 : memref<4x2x2048xf32, #tpu.memory_space<hbm>>)
      } else {
      }
      %add3A_271 = arith.constant 2 : i32
      %add3A_272 = arith.addi %add3A_263, %add3A_271 : i32
      %lt3A_273 = arith.constant 64 : i32
      %lt3A_274 = arith.cmpi slt, %add3A_272, %lt3A_273 : i32
      %convert_element_type3A_275 = arith.extui %lt3A_274 : i1 to i32
      %cond3A_276 = arith.constant 0 : i32
      %cond3A_277 = arith.cmpi ne, %convert_element_type3A_275, %cond3A_276 : i32
      scf.if %cond3A_277 {
        %add3A_416 = arith.constant 2 : i32
        %add3A_417 = arith.addi %add3A_263, %add3A_416 : i32
        %mul3A_418 = arith.constant 2 : i32
        %mul3A_419 = arith.muli %add3A_417, %mul3A_418 : i32
        %add3A_420 = arith.addi %mul3A_2, %mul3A_419 : i32
        %dma_start3A_421 = arith.constant 0 : i32
        %dma_start3A_422 = arith.constant 0 : i32
        %dma_start3A_423 = arith.constant 0 : i32
        %dma_start3A_424 = tpu.memref_slice %arg5[%dma_start3A_421, %dma_start3A_422, %dma_start3A_423] : memref<4x2x2048xf32, #tpu.memory_space<vmem>> -> memref<1x2x2048xf32, #tpu.memory_space<vmem>>
        %dma_start3A_425 = tpu.memref_squeeze %dma_start3A_424 : memref<1x2x2048xf32, #tpu.memory_space<vmem>> -> memref<2x2048xf32, #tpu.memory_space<vmem>>
        %dma_start3A_426 = arith.constant 0 : i32
        %dma_start3A_427 = tpu.memref_slice %arg3[%add3A_420, %dma_start3A_426] : memref<8192x2048xf32, #tpu.memory_space<hbm>> -> memref<2x2048xf32, #tpu.memory_space<hbm>>
        %dma_start3A_428 = arith.constant 0 : i32
        %dma_start3A_429 = arith.constant 0 : i32
        %dma_start3A_430 = tpu.memref_slice %arg5[%dma_start3A_421, %dma_start3A_428, %dma_start3A_429] : memref<4x2x2048xf32, #tpu.memory_space<vmem>> -> memref<1x2x2048xf32, #tpu.memory_space<vmem>>
        %dma_start3A_431 = tpu.memref_squeeze %dma_start3A_430 : memref<1x2x2048xf32, #tpu.memory_space<vmem>> -> memref<2x2048xf32, #tpu.memory_space<vmem>>
        %dma_start3A_432 = arith.constant 0 : i32
        %dma_start3A_433 = tpu.memref_slice %arg3[%add3A_420, %dma_start3A_432] : memref<8192x2048xf32, #tpu.memory_space<hbm>> -> memref<2x2048xf32, #tpu.memory_space<hbm>>
        tpu.enqueue_dma source(%dma_start3A_433 : memref<2x2048xf32, #tpu.memory_space<hbm>>) target(%dma_start3A_431 : memref<2x2048xf32, #tpu.memory_space<vmem>>) target_semaphore(%arg7 : memref<!tpu.dma_semaphore, #tpu.memory_space<semaphore_mem>>)
        %dma_start3A_434 = arith.constant 0 : i32
        %dma_start3A_435 = arith.constant 0 : i32
        %dma_start3A_436 = arith.constant 0 : i32
        %dma_start3A_437 = arith.constant 0 : i32
        %dma_start3A_438 = tpu.memref_slice %arg6[%dma_start3A_434, %dma_start3A_435, %dma_start3A_436, %dma_start3A_437] : memref<4x4x2x2048xf32, #tpu.memory_space<vmem>> -> memref<1x4x2x2048xf32, #tpu.memory_space<vmem>>
        %dma_start3A_439 = tpu.memref_squeeze %dma_start3A_438 : memref<1x4x2x2048xf32, #tpu.memory_space<vmem>> -> memref<4x2x2048xf32, #tpu.memory_space<vmem>>
        %dma_start3A_440 = arith.constant 0 : i32
        %dma_start3A_441 = arith.constant 0 : i32
        %dma_start3A_442 = tpu.memref_slice %arg2[%dma_start3A_440, %add3A_420, %dma_start3A_441] : memref<4x4096x2048xf32, #tpu.memory_space<hbm>> -> memref<4x2x2048xf32, #tpu.memory_space<hbm>>
        %dma_start3A_443 = arith.constant 0 : i32
        %dma_start3A_444 = arith.constant 0 : i32
        %dma_start3A_445 = arith.constant 0 : i32
        %dma_start3A_446 = tpu.memref_slice %arg6[%dma_start3A_434, %dma_start3A_443, %dma_start3A_444, %dma_start3A_445] : memref<4x4x2x2048xf32, #tpu.memory_space<vmem>> -> memref<1x4x2x2048xf32, #tpu.memory_space<vmem>>
        %dma_start3A_447 = tpu.memref_squeeze %dma_start3A_446 : memref<1x4x2x2048xf32, #tpu.memory_space<vmem>> -> memref<4x2x2048xf32, #tpu.memory_space<vmem>>
        %dma_start3A_448 = arith.constant 0 : i32
        %dma_start3A_449 = arith.constant 0 : i32
        %dma_start3A_450 = tpu.memref_slice %arg2[%dma_start3A_448, %add3A_420, %dma_start3A_449] : memref<4x4096x2048xf32, #tpu.memory_space<hbm>> -> memref<4x2x2048xf32, #tpu.memory_space<hbm>>
        tpu.enqueue_dma source(%dma_start3A_450 : memref<4x2x2048xf32, #tpu.memory_space<hbm>>) target(%dma_start3A_447 : memref<4x2x2048xf32, #tpu.memory_space<vmem>>) target_semaphore(%arg7 : memref<!tpu.dma_semaphore, #tpu.memory_space<semaphore_mem>>)
      } else {
      }
      %dma_wait3A_278 = arith.constant 2 : i32
      %dma_wait3A_279 = arith.constant 0 : i32
      %dma_wait3A_280 = arith.constant 0 : i32
      %dma_wait3A_281 = tpu.memref_slice %arg5[%dma_wait3A_278, %dma_wait3A_279, %dma_wait3A_280] : memref<4x2x2048xf32, #tpu.memory_space<vmem>> -> memref<1x2x2048xf32, #tpu.memory_space<vmem>>
      %dma_wait3A_282 = tpu.memref_squeeze %dma_wait3A_281 : memref<1x2x2048xf32, #tpu.memory_space<vmem>> -> memref<2x2048xf32, #tpu.memory_space<vmem>>
      %dma_wait3A_283 = arith.constant 0 : i32
      %dma_wait3A_284 = arith.constant 0 : i32
      %dma_wait3A_285 = tpu.memref_slice %arg3[%dma_wait3A_283, %dma_wait3A_284] : memref<8192x2048xf32, #tpu.memory_space<hbm>> -> memref<2x2048xf32, #tpu.memory_space<hbm>>
      %dma_wait3A_286 = arith.constant 0 : i32
      %dma_wait3A_287 = arith.constant 0 : i32
      %dma_wait3A_288 = tpu.memref_slice %arg5[%dma_wait3A_278, %dma_wait3A_286, %dma_wait3A_287] : memref<4x2x2048xf32, #tpu.memory_space<vmem>> -> memref<1x2x2048xf32, #tpu.memory_space<vmem>>
      %dma_wait3A_289 = tpu.memref_squeeze %dma_wait3A_288 : memref<1x2x2048xf32, #tpu.memory_space<vmem>> -> memref<2x2048xf32, #tpu.memory_space<vmem>>
      %dma_wait3A_290 = arith.constant 0 : i32
      %dma_wait3A_291 = arith.constant 0 : i32
      %dma_wait3A_292 = tpu.memref_slice %arg3[%dma_wait3A_290, %dma_wait3A_291] : memref<8192x2048xf32, #tpu.memory_space<hbm>> -> memref<2x2048xf32, #tpu.memory_space<hbm>>
      tpu.wait_dma2 semaphore(%arg9 : memref<!tpu.dma_semaphore, #tpu.memory_space<semaphore_mem>>) src(%dma_wait3A_292 : memref<2x2048xf32, #tpu.memory_space<hbm>>) dst(%dma_wait3A_289 : memref<2x2048xf32, #tpu.memory_space<vmem>>)
      %dma_wait3A_293 = arith.constant 2 : i32
      %dma_wait3A_294 = arith.constant 0 : i32
      %dma_wait3A_295 = arith.constant 0 : i32
      %dma_wait3A_296 = arith.constant 0 : i32
      %dma_wait3A_297 = tpu.memref_slice %arg6[%dma_wait3A_293, %dma_wait3A_294, %dma_wait3A_295, %dma_wait3A_296] : memref<4x4x2x2048xf32, #tpu.memory_space<vmem>> -> memref<1x4x2x2048xf32, #tpu.memory_space<vmem>>
      %dma_wait3A_298 = tpu.memref_squeeze %dma_wait3A_297 : memref<1x4x2x2048xf32, #tpu.memory_space<vmem>> -> memref<4x2x2048xf32, #tpu.memory_space<vmem>>
      %dma_wait3A_299 = arith.constant 0 : i32
      %dma_wait3A_300 = arith.constant 0 : i32
      %dma_wait3A_301 = arith.constant 0 : i32
      %dma_wait3A_302 = tpu.memref_slice %arg2[%dma_wait3A_299, %dma_wait3A_300, %dma_wait3A_301] : memref<4x4096x2048xf32, #tpu.memory_space<hbm>> -> memref<4x2x2048xf32, #tpu.memory_space<hbm>>
      %dma_wait3A_303 = arith.constant 0 : i32
      %dma_wait3A_304 = arith.constant 0 : i32
      %dma_wait3A_305 = arith.constant 0 : i32
      %dma_wait3A_306 = tpu.memref_slice %arg6[%dma_wait3A_293, %dma_wait3A_303, %dma_wait3A_304, %dma_wait3A_305] : memref<4x4x2x2048xf32, #tpu.memory_space<vmem>> -> memref<1x4x2x2048xf32, #tpu.memory_space<vmem>>
      %dma_wait3A_307 = tpu.memref_squeeze %dma_wait3A_306 : memref<1x4x2x2048xf32, #tpu.memory_space<vmem>> -> memref<4x2x2048xf32, #tpu.memory_space<vmem>>
      %dma_wait3A_308 = arith.constant 0 : i32
      %dma_wait3A_309 = arith.constant 0 : i32
      %dma_wait3A_310 = arith.constant 0 : i32
      %dma_wait3A_311 = tpu.memref_slice %arg2[%dma_wait3A_308, %dma_wait3A_309, %dma_wait3A_310] : memref<4x4096x2048xf32, #tpu.memory_space<hbm>> -> memref<4x2x2048xf32, #tpu.memory_space<hbm>>
      tpu.wait_dma2 semaphore(%arg9 : memref<!tpu.dma_semaphore, #tpu.memory_space<semaphore_mem>>) src(%dma_wait3A_311 : memref<4x2x2048xf32, #tpu.memory_space<hbm>>) dst(%dma_wait3A_307 : memref<4x2x2048xf32, #tpu.memory_space<vmem>>)
      %scan3A_312 = arith.constant 0 : i32
      %scan3A_313 = arith.constant 0 : i32
      %scan3A_314 = arith.constant 128 : i32
      %scan3A_315 = arith.addi %scan3A_313, %scan3A_314 : i32
      %scan3A_316 = arith.constant 1 : i32
      scf.for %scan3A_416 = %scan3A_313 to %scan3A_315 step %scan3A_316  : i32 {
        %mul3A_417 = arith.constant 16 : i32
        %mul3A_418 = arith.muli %scan3A_416, %mul3A_417 : i32
        %get3A = arith.constant 2 : i32
        %get3A_419 = arith.constant 0 : i32
        %get3A_420 = arith.index_cast %get3A : i32 to index
        %get3A_421 = arith.index_cast %get3A_419 : i32 to index
        %get3A_422 = arith.index_cast %mul3A_418 : i32 to index
        %get3A_423 = tpu.vector_load %arg5[%get3A_420, %get3A_421, %get3A_422] {strides = array<i32>} : memref<4x2x2048xf32, #tpu.memory_space<vmem>>, vector<1x1x16xf32>,
        %get3A_424 = vector.shape_cast %get3A_423 : vector<1x1x16xf32> to vector<16xf32>
        %get3A_425 = arith.constant 2 : i32
        %get3A_426 = arith.constant 0 : i32
        %get3A_427 = arith.constant 0 : i32
        %get3A_428 = arith.index_cast %get3A_425 : i32 to index
        %get3A_429 = arith.index_cast %get3A_426 : i32 to index
        %get3A_430 = arith.index_cast %get3A_427 : i32 to index
        %get3A_431 = arith.index_cast %mul3A_418 : i32 to index
        %get3A_432 = tpu.vector_load %arg6[%get3A_428, %get3A_429, %get3A_430, %get3A_431] {strides = array<i32>} : memref<4x4x2x2048xf32, #tpu.memory_space<vmem>>, vector<1x1x1x16xf32>,
        %get3A_433 = vector.shape_cast %get3A_432 : vector<1x1x1x16xf32> to vector<16xf32>
        %add3A_434 = arith.addf %get3A_433, %get3A_424 : vector<16xf32>
        %swap3A = arith.constant 2 : i32
        %swap3A_435 = arith.constant 0 : i32
        %swap3A_436 = arith.constant 0 : i32
        %swap3A_437 = arith.index_cast %swap3A : i32 to index
        %swap3A_438 = arith.index_cast %swap3A_435 : i32 to index
        %swap3A_439 = arith.index_cast %swap3A_436 : i32 to index
        %swap3A_440 = arith.index_cast %mul3A_418 : i32 to index
        %swap3A_441 = tpu.vector_load %arg6[%swap3A_437, %swap3A_438, %swap3A_439, %swap3A_440] {strides = array<i32>} : memref<4x4x2x2048xf32, #tpu.memory_space<vmem>>, vector<1x1x1x16xf32>,
        %swap3A_442 = vector.shape_cast %swap3A_441 : vector<1x1x1x16xf32> to vector<16xf32>
        %swap3A_443 = vector.shape_cast %add3A_434 : vector<16xf32> to vector<1x1x1x16xf32>
        tpu.vector_store %arg6[%swap3A_437, %swap3A_438, %swap3A_439, %swap3A_440], %swap3A_443 {strides = array<i32>} : memref<4x4x2x2048xf32, #tpu.memory_space<vmem>>, vector<1x1x1x16xf32>,
        %get3A_444 = arith.constant 2 : i32
        %get3A_445 = arith.constant 1 : i32
        %get3A_446 = arith.constant 0 : i32
        %get3A_447 = arith.index_cast %get3A_444 : i32 to index
        %get3A_448 = arith.index_cast %get3A_445 : i32 to index
        %get3A_449 = arith.index_cast %get3A_446 : i32 to index
        %get3A_450 = arith.index_cast %mul3A_418 : i32 to index
        %get3A_451 = tpu.vector_load %arg6[%get3A_447, %get3A_448, %get3A_449, %get3A_450] {strides = array<i32>} : memref<4x4x2x2048xf32, #tpu.memory_space<vmem>>, vector<1x1x1x16xf32>,
        %get3A_452 = vector.shape_cast %get3A_451 : vector<1x1x1x16xf32> to vector<16xf32>
        %add3A_453 = arith.addf %get3A_452, %get3A_424 : vector<16xf32>
        %swap3A_454 = arith.constant 2 : i32
        %swap3A_455 = arith.constant 1 : i32
        %swap3A_456 = arith.constant 0 : i32
        %swap3A_457 = arith.index_cast %swap3A_454 : i32 to index
        %swap3A_458 = arith.index_cast %swap3A_455 : i32 to index
        %swap3A_459 = arith.index_cast %swap3A_456 : i32 to index
        %swap3A_460 = arith.index_cast %mul3A_418 : i32 to index
        %swap3A_461 = tpu.vector_load %arg6[%swap3A_457, %swap3A_458, %swap3A_459, %swap3A_460] {strides = array<i32>} : memref<4x4x2x2048xf32, #tpu.memory_space<vmem>>, vector<1x1x1x16xf32>,
        %swap3A_462 = vector.shape_cast %swap3A_461 : vector<1x1x1x16xf32> to vector<16xf32>
        %swap3A_463 = vector.shape_cast %add3A_453 : vector<16xf32> to vector<1x1x1x16xf32>
        tpu.vector_store %arg6[%swap3A_457, %swap3A_458, %swap3A_459, %swap3A_460], %swap3A_463 {strides = array<i32>} : memref<4x4x2x2048xf32, #tpu.memory_space<vmem>>, vector<1x1x1x16xf32>,
        %get3A_464 = arith.constant 2 : i32
        %get3A_465 = arith.constant 2 : i32
        %get3A_466 = arith.constant 0 : i32
        %get3A_467 = arith.index_cast %get3A_464 : i32 to index
        %get3A_468 = arith.index_cast %get3A_465 : i32 to index
        %get3A_469 = arith.index_cast %get3A_466 : i32 to index
        %get3A_470 = arith.index_cast %mul3A_418 : i32 to index
        %get3A_471 = tpu.vector_load %arg6[%get3A_467, %get3A_468, %get3A_469, %get3A_470] {strides = array<i32>} : memref<4x4x2x2048xf32, #tpu.memory_space<vmem>>, vector<1x1x1x16xf32>,
        %get3A_472 = vector.shape_cast %get3A_471 : vector<1x1x1x16xf32> to vector<16xf32>
        %add3A_473 = arith.addf %get3A_472, %get3A_424 : vector<16xf32>
        %swap3A_474 = arith.constant 2 : i32
        %swap3A_475 = arith.constant 2 : i32
        %swap3A_476 = arith.constant 0 : i32
        %swap3A_477 = arith.index_cast %swap3A_474 : i32 to index
        %swap3A_478 = arith.index_cast %swap3A_475 : i32 to index
        %swap3A_479 = arith.index_cast %swap3A_476 : i32 to index
        %swap3A_480 = arith.index_cast %mul3A_418 : i32 to index
        %swap3A_481 = tpu.vector_load %arg6[%swap3A_477, %swap3A_478, %swap3A_479, %swap3A_480] {strides = array<i32>} : memref<4x4x2x2048xf32, #tpu.memory_space<vmem>>, vector<1x1x1x16xf32>,
        %swap3A_482 = vector.shape_cast %swap3A_481 : vector<1x1x1x16xf32> to vector<16xf32>
        %swap3A_483 = vector.shape_cast %add3A_473 : vector<16xf32> to vector<1x1x1x16xf32>
        tpu.vector_store %arg6[%swap3A_477, %swap3A_478, %swap3A_479, %swap3A_480], %swap3A_483 {strides = array<i32>} : memref<4x4x2x2048xf32, #tpu.memory_space<vmem>>, vector<1x1x1x16xf32>,
        %get3A_484 = arith.constant 2 : i32
        %get3A_485 = arith.constant 3 : i32
        %get3A_486 = arith.constant 0 : i32
        %get3A_487 = arith.index_cast %get3A_484 : i32 to index
        %get3A_488 = arith.index_cast %get3A_485 : i32 to index
        %get3A_489 = arith.index_cast %get3A_486 : i32 to index
        %get3A_490 = arith.index_cast %mul3A_418 : i32 to index
        %get3A_491 = tpu.vector_load %arg6[%get3A_487, %get3A_488, %get3A_489, %get3A_490] {strides = array<i32>} : memref<4x4x2x2048xf32, #tpu.memory_space<vmem>>, vector<1x1x1x16xf32>,
        %get3A_492 = vector.shape_cast %get3A_491 : vector<1x1x1x16xf32> to vector<16xf32>
        %add3A_493 = arith.addf %get3A_492, %get3A_424 : vector<16xf32>
        %swap3A_494 = arith.constant 2 : i32
        %swap3A_495 = arith.constant 3 : i32
        %swap3A_496 = arith.constant 0 : i32
        %swap3A_497 = arith.index_cast %swap3A_494 : i32 to index
        %swap3A_498 = arith.index_cast %swap3A_495 : i32 to index
        %swap3A_499 = arith.index_cast %swap3A_496 : i32 to index
        %swap3A_500 = arith.index_cast %mul3A_418 : i32 to index
        %swap3A_501 = tpu.vector_load %arg6[%swap3A_497, %swap3A_498, %swap3A_499, %swap3A_500] {strides = array<i32>} : memref<4x4x2x2048xf32, #tpu.memory_space<vmem>>, vector<1x1x1x16xf32>,
        %swap3A_502 = vector.shape_cast %swap3A_501 : vector<1x1x1x16xf32> to vector<16xf32>
        %swap3A_503 = vector.shape_cast %add3A_493 : vector<16xf32> to vector<1x1x1x16xf32>
        tpu.vector_store %arg6[%swap3A_497, %swap3A_498, %swap3A_499, %swap3A_500], %swap3A_503 {strides = array<i32>} : memref<4x4x2x2048xf32, #tpu.memory_space<vmem>>, vector<1x1x1x16xf32>,
        %get3A_504 = arith.constant 2 : i32
        %get3A_505 = arith.constant 1 : i32
        %get3A_506 = arith.index_cast %get3A_504 : i32 to index
        %get3A_507 = arith.index_cast %get3A_505 : i32 to index
        %get3A_508 = arith.index_cast %mul3A_418 : i32 to index
        %get3A_509 = tpu.vector_load %arg5[%get3A_506, %get3A_507, %get3A_508] {strides = array<i32>} : memref<4x2x2048xf32, #tpu.memory_space<vmem>>, vector<1x1x16xf32>,
        %get3A_510 = vector.shape_cast %get3A_509 : vector<1x1x16xf32> to vector<16xf32>
        %get3A_511 = arith.constant 2 : i32
        %get3A_512 = arith.constant 0 : i32
        %get3A_513 = arith.constant 1 : i32
        %get3A_514 = arith.index_cast %get3A_511 : i32 to index
        %get3A_515 = arith.index_cast %get3A_512 : i32 to index
        %get3A_516 = arith.index_cast %get3A_513 : i32 to index
        %get3A_517 = arith.index_cast %mul3A_418 : i32 to index
        %get3A_518 = tpu.vector_load %arg6[%get3A_514, %get3A_515, %get3A_516, %get3A_517] {strides = array<i32>} : memref<4x4x2x2048xf32, #tpu.memory_space<vmem>>, vector<1x1x1x16xf32>,
        %get3A_519 = vector.shape_cast %get3A_518 : vector<1x1x1x16xf32> to vector<16xf32>
        %add3A_520 = arith.addf %get3A_519, %get3A_510 : vector<16xf32>
        %swap3A_521 = arith.constant 2 : i32
        %swap3A_522 = arith.constant 0 : i32
        %swap3A_523 = arith.constant 1 : i32
        %swap3A_524 = arith.index_cast %swap3A_521 : i32 to index
        %swap3A_525 = arith.index_cast %swap3A_522 : i32 to index
        %swap3A_526 = arith.index_cast %swap3A_523 : i32 to index
        %swap3A_527 = arith.index_cast %mul3A_418 : i32 to index
        %swap3A_528 = tpu.vector_load %arg6[%swap3A_524, %swap3A_525, %swap3A_526, %swap3A_527] {strides = array<i32>} : memref<4x4x2x2048xf32, #tpu.memory_space<vmem>>, vector<1x1x1x16xf32>,
        %swap3A_529 = vector.shape_cast %swap3A_528 : vector<1x1x1x16xf32> to vector<16xf32>
        %swap3A_530 = vector.shape_cast %add3A_520 : vector<16xf32> to vector<1x1x1x16xf32>
        tpu.vector_store %arg6[%swap3A_524, %swap3A_525, %swap3A_526, %swap3A_527], %swap3A_530 {strides = array<i32>} : memref<4x4x2x2048xf32, #tpu.memory_space<vmem>>, vector<1x1x1x16xf32>,
        %get3A_531 = arith.constant 2 : i32
        %get3A_532 = arith.constant 1 : i32
        %get3A_533 = arith.constant 1 : i32
        %get3A_534 = arith.index_cast %get3A_531 : i32 to index
        %get3A_535 = arith.index_cast %get3A_532 : i32 to index
        %get3A_536 = arith.index_cast %get3A_533 : i32 to index
        %get3A_537 = arith.index_cast %mul3A_418 : i32 to index
        %get3A_538 = tpu.vector_load %arg6[%get3A_534, %get3A_535, %get3A_536, %get3A_537] {strides = array<i32>} : memref<4x4x2x2048xf32, #tpu.memory_space<vmem>>, vector<1x1x1x16xf32>,
        %get3A_539 = vector.shape_cast %get3A_538 : vector<1x1x1x16xf32> to vector<16xf32>
        %add3A_540 = arith.addf %get3A_539, %get3A_510 : vector<16xf32>
        %swap3A_541 = arith.constant 2 : i32
        %swap3A_542 = arith.constant 1 : i32
        %swap3A_543 = arith.constant 1 : i32
        %swap3A_544 = arith.index_cast %swap3A_541 : i32 to index
        %swap3A_545 = arith.index_cast %swap3A_542 : i32 to index
        %swap3A_546 = arith.index_cast %swap3A_543 : i32 to index
        %swap3A_547 = arith.index_cast %mul3A_418 : i32 to index
        %swap3A_548 = tpu.vector_load %arg6[%swap3A_544, %swap3A_545, %swap3A_546, %swap3A_547] {strides = array<i32>} : memref<4x4x2x2048xf32, #tpu.memory_space<vmem>>, vector<1x1x1x16xf32>,
        %swap3A_549 = vector.shape_cast %swap3A_548 : vector<1x1x1x16xf32> to vector<16xf32>
        %swap3A_550 = vector.shape_cast %add3A_540 : vector<16xf32> to vector<1x1x1x16xf32>
        tpu.vector_store %arg6[%swap3A_544, %swap3A_545, %swap3A_546, %swap3A_547], %swap3A_550 {strides = array<i32>} : memref<4x4x2x2048xf32, #tpu.memory_space<vmem>>, vector<1x1x1x16xf32>,
        %get3A_551 = arith.constant 2 : i32
        %get3A_552 = arith.constant 2 : i32
        %get3A_553 = arith.constant 1 : i32
        %get3A_554 = arith.index_cast %get3A_551 : i32 to index
        %get3A_555 = arith.index_cast %get3A_552 : i32 to index
        %get3A_556 = arith.index_cast %get3A_553 : i32 to index
        %get3A_557 = arith.index_cast %mul3A_418 : i32 to index
        %get3A_558 = tpu.vector_load %arg6[%get3A_554, %get3A_555, %get3A_556, %get3A_557] {strides = array<i32>} : memref<4x4x2x2048xf32, #tpu.memory_space<vmem>>, vector<1x1x1x16xf32>,
        %get3A_559 = vector.shape_cast %get3A_558 : vector<1x1x1x16xf32> to vector<16xf32>
        %add3A_560 = arith.addf %get3A_559, %get3A_510 : vector<16xf32>
        %swap3A_561 = arith.constant 2 : i32
        %swap3A_562 = arith.constant 2 : i32
        %swap3A_563 = arith.constant 1 : i32
        %swap3A_564 = arith.index_cast %swap3A_561 : i32 to index
        %swap3A_565 = arith.index_cast %swap3A_562 : i32 to index
        %swap3A_566 = arith.index_cast %swap3A_563 : i32 to index
        %swap3A_567 = arith.index_cast %mul3A_418 : i32 to index
        %swap3A_568 = tpu.vector_load %arg6[%swap3A_564, %swap3A_565, %swap3A_566, %swap3A_567] {strides = array<i32>} : memref<4x4x2x2048xf32, #tpu.memory_space<vmem>>, vector<1x1x1x16xf32>,
        %swap3A_569 = vector.shape_cast %swap3A_568 : vector<1x1x1x16xf32> to vector<16xf32>
        %swap3A_570 = vector.shape_cast %add3A_560 : vector<16xf32> to vector<1x1x1x16xf32>
        tpu.vector_store %arg6[%swap3A_564, %swap3A_565, %swap3A_566, %swap3A_567], %swap3A_570 {strides = array<i32>} : memref<4x4x2x2048xf32, #tpu.memory_space<vmem>>, vector<1x1x1x16xf32>,
        %get3A_571 = arith.constant 2 : i32
        %get3A_572 = arith.constant 3 : i32
        %get3A_573 = arith.constant 1 : i32
        %get3A_574 = arith.index_cast %get3A_571 : i32 to index
        %get3A_575 = arith.index_cast %get3A_572 : i32 to index
        %get3A_576 = arith.index_cast %get3A_573 : i32 to index
        %get3A_577 = arith.index_cast %mul3A_418 : i32 to index
        %get3A_578 = tpu.vector_load %arg6[%get3A_574, %get3A_575, %get3A_576, %get3A_577] {strides = array<i32>} : memref<4x4x2x2048xf32, #tpu.memory_space<vmem>>, vector<1x1x1x16xf32>,
        %get3A_579 = vector.shape_cast %get3A_578 : vector<1x1x1x16xf32> to vector<16xf32>
        %add3A_580 = arith.addf %get3A_579, %get3A_510 : vector<16xf32>
        %swap3A_581 = arith.constant 2 : i32
        %swap3A_582 = arith.constant 3 : i32
        %swap3A_583 = arith.constant 1 : i32
        %swap3A_584 = arith.index_cast %swap3A_581 : i32 to index
        %swap3A_585 = arith.index_cast %swap3A_582 : i32 to index
        %swap3A_586 = arith.index_cast %swap3A_583 : i32 to index
        %swap3A_587 = arith.index_cast %mul3A_418 : i32 to index
        %swap3A_588 = tpu.vector_load %arg6[%swap3A_584, %swap3A_585, %swap3A_586, %swap3A_587] {strides = array<i32>} : memref<4x4x2x2048xf32, #tpu.memory_space<vmem>>, vector<1x1x1x16xf32>,
        %swap3A_589 = vector.shape_cast %swap3A_588 : vector<1x1x1x16xf32> to vector<16xf32>
        %swap3A_590 = vector.shape_cast %add3A_580 : vector<16xf32> to vector<1x1x1x16xf32>
        tpu.vector_store %arg6[%swap3A_584, %swap3A_585, %swap3A_586, %swap3A_587], %swap3A_590 {strides = array<i32>} : memref<4x4x2x2048xf32, #tpu.memory_space<vmem>>, vector<1x1x1x16xf32>,
      }
      %scan3A_317 = arith.constant 128 : i32
      %mul3A_318 = arith.constant 2 : i32
      %mul3A_319 = arith.muli %add3A_263, %mul3A_318 : i32
      %add3A_320 = arith.addi %mul3A_2, %mul3A_319 : i32
      %dma_start3A_321 = arith.constant 2 : i32
      %dma_start3A_322 = arith.constant 0 : i32
      %dma_start3A_323 = arith.constant 0 : i32
      %dma_start3A_324 = arith.constant 0 : i32
      %dma_start3A_325 = tpu.memref_slice %arg6[%dma_start3A_321, %dma_start3A_322, %dma_start3A_323, %dma_start3A_324] : memref<4x4x2x2048xf32, #tpu.memory_space<vmem>> -> memref<1x4x2x2048xf32, #tpu.memory_space<vmem>>
      %dma_start3A_326 = tpu.memref_squeeze %dma_start3A_325 : memref<1x4x2x2048xf32, #tpu.memory_space<vmem>> -> memref<4x2x2048xf32, #tpu.memory_space<vmem>>
      %dma_start3A_327 = arith.constant 0 : i32
      %dma_start3A_328 = arith.constant 0 : i32
      %dma_start3A_329 = tpu.memref_slice %arg4[%dma_start3A_327, %add3A_320, %dma_start3A_328] : memref<4x4096x2048xf32, #tpu.memory_space<hbm>> -> memref<4x2x2048xf32, #tpu.memory_space<hbm>>
      %dma_start3A_330 = arith.constant 0 : i32
      %dma_start3A_331 = arith.constant 0 : i32
      %dma_start3A_332 = tpu.memref_slice %arg4[%dma_start3A_330, %add3A_320, %dma_start3A_331] : memref<4x4096x2048xf32, #tpu.memory_space<hbm>> -> memref<4x2x2048xf32, #tpu.memory_space<hbm>>
      %dma_start3A_333 = arith.constant 0 : i32
      %dma_start3A_334 = arith.constant 0 : i32
      %dma_start3A_335 = arith.constant 0 : i32
      %dma_start3A_336 = tpu.memref_slice %arg6[%dma_start3A_321, %dma_start3A_333, %dma_start3A_334, %dma_start3A_335] : memref<4x4x2x2048xf32, #tpu.memory_space<vmem>> -> memref<1x4x2x2048xf32, #tpu.memory_space<vmem>>
      %dma_start3A_337 = tpu.memref_squeeze %dma_start3A_336 : memref<1x4x2x2048xf32, #tpu.memory_space<vmem>> -> memref<4x2x2048xf32, #tpu.memory_space<vmem>>
      tpu.enqueue_dma source(%dma_start3A_337 : memref<4x2x2048xf32, #tpu.memory_space<vmem>>) target(%dma_start3A_332 : memref<4x2x2048xf32, #tpu.memory_space<hbm>>) target_semaphore(%arg13 : memref<!tpu.dma_semaphore, #tpu.memory_space<semaphore_mem>>)
      %mul3A_338 = arith.constant 4 : i32
      %mul3A_339 = arith.muli %mul3A_338, %scan3A_108 : i32
      %add3A_340 = arith.constant 3 : i32
      %add3A_341 = arith.addi %mul3A_339, %add3A_340 : i32
      %sub3A_342 = arith.constant 2 : i32
      %sub3A_343 = arith.subi %add3A_341, %sub3A_342 : i32
      %ge3A_344 = arith.constant 0 : i32
      %ge3A_345 = arith.cmpi sge, %sub3A_343, %ge3A_344 : i32
      %convert_element_type3A_346 = arith.extui %ge3A_345 : i1 to i32
      %cond3A_347 = arith.constant 0 : i32
      %cond3A_348 = arith.cmpi ne, %convert_element_type3A_346, %cond3A_347 : i32
      scf.if %cond3A_348 {
        %dma_wait3A_416 = arith.constant 1 : i32
        %dma_wait3A_417 = arith.constant 0 : i32
        %dma_wait3A_418 = arith.constant 0 : i32
        %dma_wait3A_419 = arith.constant 0 : i32
        %dma_wait3A_420 = tpu.memref_slice %arg6[%dma_wait3A_416, %dma_wait3A_417, %dma_wait3A_418, %dma_wait3A_419] : memref<4x4x2x2048xf32, #tpu.memory_space<vmem>> -> memref<1x4x2x2048xf32, #tpu.memory_space<vmem>>
        %dma_wait3A_421 = tpu.memref_squeeze %dma_wait3A_420 : memref<1x4x2x2048xf32, #tpu.memory_space<vmem>> -> memref<4x2x2048xf32, #tpu.memory_space<vmem>>
        %dma_wait3A_422 = arith.constant 0 : i32
        %dma_wait3A_423 = arith.constant 0 : i32
        %dma_wait3A_424 = arith.constant 0 : i32
        %dma_wait3A_425 = tpu.memref_slice %arg4[%dma_wait3A_422, %dma_wait3A_423, %dma_wait3A_424] : memref<4x4096x2048xf32, #tpu.memory_space<hbm>> -> memref<4x2x2048xf32, #tpu.memory_space<hbm>>
        %dma_wait3A_426 = arith.constant 0 : i32
        %dma_wait3A_427 = arith.constant 0 : i32
        %dma_wait3A_428 = arith.constant 0 : i32
        %dma_wait3A_429 = tpu.memref_slice %arg4[%dma_wait3A_426, %dma_wait3A_427, %dma_wait3A_428] : memref<4x4096x2048xf32, #tpu.memory_space<hbm>> -> memref<4x2x2048xf32, #tpu.memory_space<hbm>>
        %dma_wait3A_430 = arith.constant 0 : i32
        %dma_wait3A_431 = arith.constant 0 : i32
        %dma_wait3A_432 = arith.constant 0 : i32
        %dma_wait3A_433 = tpu.memref_slice %arg6[%dma_wait3A_416, %dma_wait3A_430, %dma_wait3A_431, %dma_wait3A_432] : memref<4x4x2x2048xf32, #tpu.memory_space<vmem>> -> memref<1x4x2x2048xf32, #tpu.memory_space<vmem>>
        %dma_wait3A_434 = tpu.memref_squeeze %dma_wait3A_433 : memref<1x4x2x2048xf32, #tpu.memory_space<vmem>> -> memref<4x2x2048xf32, #tpu.memory_space<vmem>>
        tpu.wait_dma2 semaphore(%arg12 : memref<!tpu.dma_semaphore, #tpu.memory_space<semaphore_mem>>) src(%dma_wait3A_434 : memref<4x2x2048xf32, #tpu.memory_space<vmem>>) dst(%dma_wait3A_429 : memref<4x2x2048xf32, #tpu.memory_space<hbm>>)
      } else {
      }
      %add3A_349 = arith.constant 2 : i32
      %add3A_350 = arith.addi %add3A_341, %add3A_349 : i32
      %lt3A_351 = arith.constant 64 : i32
      %lt3A_352 = arith.cmpi slt, %add3A_350, %lt3A_351 : i32
      %convert_element_type3A_353 = arith.extui %lt3A_352 : i1 to i32
      %cond3A_354 = arith.constant 0 : i32
      %cond3A_355 = arith.cmpi ne, %convert_element_type3A_353, %cond3A_354 : i32
      scf.if %cond3A_355 {
        %add3A_416 = arith.constant 2 : i32
        %add3A_417 = arith.addi %add3A_341, %add3A_416 : i32
        %mul3A_418 = arith.constant 2 : i32
        %mul3A_419 = arith.muli %add3A_417, %mul3A_418 : i32
        %add3A_420 = arith.addi %mul3A_2, %mul3A_419 : i32
        %dma_start3A_421 = arith.constant 1 : i32
        %dma_start3A_422 = arith.constant 0 : i32
        %dma_start3A_423 = arith.constant 0 : i32
        %dma_start3A_424 = tpu.memref_slice %arg5[%dma_start3A_421, %dma_start3A_422, %dma_start3A_423] : memref<4x2x2048xf32, #tpu.memory_space<vmem>> -> memref<1x2x2048xf32, #tpu.memory_space<vmem>>
        %dma_start3A_425 = tpu.memref_squeeze %dma_start3A_424 : memref<1x2x2048xf32, #tpu.memory_space<vmem>> -> memref<2x2048xf32, #tpu.memory_space<vmem>>
        %dma_start3A_426 = arith.constant 0 : i32
        %dma_start3A_427 = tpu.memref_slice %arg3[%add3A_420, %dma_start3A_426] : memref<8192x2048xf32, #tpu.memory_space<hbm>> -> memref<2x2048xf32, #tpu.memory_space<hbm>>
        %dma_start3A_428 = arith.constant 0 : i32
        %dma_start3A_429 = arith.constant 0 : i32
        %dma_start3A_430 = tpu.memref_slice %arg5[%dma_start3A_421, %dma_start3A_428, %dma_start3A_429] : memref<4x2x2048xf32, #tpu.memory_space<vmem>> -> memref<1x2x2048xf32, #tpu.memory_space<vmem>>
        %dma_start3A_431 = tpu.memref_squeeze %dma_start3A_430 : memref<1x2x2048xf32, #tpu.memory_space<vmem>> -> memref<2x2048xf32, #tpu.memory_space<vmem>>
        %dma_start3A_432 = arith.constant 0 : i32
        %dma_start3A_433 = tpu.memref_slice %arg3[%add3A_420, %dma_start3A_432] : memref<8192x2048xf32, #tpu.memory_space<hbm>> -> memref<2x2048xf32, #tpu.memory_space<hbm>>
        tpu.enqueue_dma source(%dma_start3A_433 : memref<2x2048xf32, #tpu.memory_space<hbm>>) target(%dma_start3A_431 : memref<2x2048xf32, #tpu.memory_space<vmem>>) target_semaphore(%arg8 : memref<!tpu.dma_semaphore, #tpu.memory_space<semaphore_mem>>)
        %dma_start3A_434 = arith.constant 1 : i32
        %dma_start3A_435 = arith.constant 0 : i32
        %dma_start3A_436 = arith.constant 0 : i32
        %dma_start3A_437 = arith.constant 0 : i32
        %dma_start3A_438 = tpu.memref_slice %arg6[%dma_start3A_434, %dma_start3A_435, %dma_start3A_436, %dma_start3A_437] : memref<4x4x2x2048xf32, #tpu.memory_space<vmem>> -> memref<1x4x2x2048xf32, #tpu.memory_space<vmem>>
        %dma_start3A_439 = tpu.memref_squeeze %dma_start3A_438 : memref<1x4x2x2048xf32, #tpu.memory_space<vmem>> -> memref<4x2x2048xf32, #tpu.memory_space<vmem>>
        %dma_start3A_440 = arith.constant 0 : i32
        %dma_start3A_441 = arith.constant 0 : i32
        %dma_start3A_442 = tpu.memref_slice %arg2[%dma_start3A_440, %add3A_420, %dma_start3A_441] : memref<4x4096x2048xf32, #tpu.memory_space<hbm>> -> memref<4x2x2048xf32, #tpu.memory_space<hbm>>
        %dma_start3A_443 = arith.constant 0 : i32
        %dma_start3A_444 = arith.constant 0 : i32
        %dma_start3A_445 = arith.constant 0 : i32
        %dma_start3A_446 = tpu.memref_slice %arg6[%dma_start3A_434, %dma_start3A_443, %dma_start3A_444, %dma_start3A_445] : memref<4x4x2x2048xf32, #tpu.memory_space<vmem>> -> memref<1x4x2x2048xf32, #tpu.memory_space<vmem>>
        %dma_start3A_447 = tpu.memref_squeeze %dma_start3A_446 : memref<1x4x2x2048xf32, #tpu.memory_space<vmem>> -> memref<4x2x2048xf32, #tpu.memory_space<vmem>>
        %dma_start3A_448 = arith.constant 0 : i32
        %dma_start3A_449 = arith.constant 0 : i32
        %dma_start3A_450 = tpu.memref_slice %arg2[%dma_start3A_448, %add3A_420, %dma_start3A_449] : memref<4x4096x2048xf32, #tpu.memory_space<hbm>> -> memref<4x2x2048xf32, #tpu.memory_space<hbm>>
        tpu.enqueue_dma source(%dma_start3A_450 : memref<4x2x2048xf32, #tpu.memory_space<hbm>>) target(%dma_start3A_447 : memref<4x2x2048xf32, #tpu.memory_space<vmem>>) target_semaphore(%arg8 : memref<!tpu.dma_semaphore, #tpu.memory_space<semaphore_mem>>)
      } else {
      }
      %dma_wait3A_356 = arith.constant 3 : i32
      %dma_wait3A_357 = arith.constant 0 : i32
      %dma_wait3A_358 = arith.constant 0 : i32
      %dma_wait3A_359 = tpu.memref_slice %arg5[%dma_wait3A_356, %dma_wait3A_357, %dma_wait3A_358] : memref<4x2x2048xf32, #tpu.memory_space<vmem>> -> memref<1x2x2048xf32, #tpu.memory_space<vmem>>
      %dma_wait3A_360 = tpu.memref_squeeze %dma_wait3A_359 : memref<1x2x2048xf32, #tpu.memory_space<vmem>> -> memref<2x2048xf32, #tpu.memory_space<vmem>>
      %dma_wait3A_361 = arith.constant 0 : i32
      %dma_wait3A_362 = arith.constant 0 : i32
      %dma_wait3A_363 = tpu.memref_slice %arg3[%dma_wait3A_361, %dma_wait3A_362] : memref<8192x2048xf32, #tpu.memory_space<hbm>> -> memref<2x2048xf32, #tpu.memory_space<hbm>>
      %dma_wait3A_364 = arith.constant 0 : i32
      %dma_wait3A_365 = arith.constant 0 : i32
      %dma_wait3A_366 = tpu.memref_slice %arg5[%dma_wait3A_356, %dma_wait3A_364, %dma_wait3A_365] : memref<4x2x2048xf32, #tpu.memory_space<vmem>> -> memref<1x2x2048xf32, #tpu.memory_space<vmem>>
      %dma_wait3A_367 = tpu.memref_squeeze %dma_wait3A_366 : memref<1x2x2048xf32, #tpu.memory_space<vmem>> -> memref<2x2048xf32, #tpu.memory_space<vmem>>
      %dma_wait3A_368 = arith.constant 0 : i32
      %dma_wait3A_369 = arith.constant 0 : i32
      %dma_wait3A_370 = tpu.memref_slice %arg3[%dma_wait3A_368, %dma_wait3A_369] : memref<8192x2048xf32, #tpu.memory_space<hbm>> -> memref<2x2048xf32, #tpu.memory_space<hbm>>
      tpu.wait_dma2 semaphore(%arg10 : memref<!tpu.dma_semaphore, #tpu.memory_space<semaphore_mem>>) src(%dma_wait3A_370 : memref<2x2048xf32, #tpu.memory_space<hbm>>) dst(%dma_wait3A_367 : memref<2x2048xf32, #tpu.memory_space<vmem>>)
      %dma_wait3A_371 = arith.constant 3 : i32
      %dma_wait3A_372 = arith.constant 0 : i32
      %dma_wait3A_373 = arith.constant 0 : i32
      %dma_wait3A_374 = arith.constant 0 : i32
      %dma_wait3A_375 = tpu.memref_slice %arg6[%dma_wait3A_371, %dma_wait3A_372, %dma_wait3A_373, %dma_wait3A_374] : memref<4x4x2x2048xf32, #tpu.memory_space<vmem>> -> memref<1x4x2x2048xf32, #tpu.memory_space<vmem>>
      %dma_wait3A_376 = tpu.memref_squeeze %dma_wait3A_375 : memref<1x4x2x2048xf32, #tpu.memory_space<vmem>> -> memref<4x2x2048xf32, #tpu.memory_space<vmem>>
      %dma_wait3A_377 = arith.constant 0 : i32
      %dma_wait3A_378 = arith.constant 0 : i32
      %dma_wait3A_379 = arith.constant 0 : i32
      %dma_wait3A_380 = tpu.memref_slice %arg2[%dma_wait3A_377, %dma_wait3A_378, %dma_wait3A_379] : memref<4x4096x2048xf32, #tpu.memory_space<hbm>> -> memref<4x2x2048xf32, #tpu.memory_space<hbm>>
      %dma_wait3A_381 = arith.constant 0 : i32
      %dma_wait3A_382 = arith.constant 0 : i32
      %dma_wait3A_383 = arith.constant 0 : i32
      %dma_wait3A_384 = tpu.memref_slice %arg6[%dma_wait3A_371, %dma_wait3A_381, %dma_wait3A_382, %dma_wait3A_383] : memref<4x4x2x2048xf32, #tpu.memory_space<vmem>> -> memref<1x4x2x2048xf32, #tpu.memory_space<vmem>>
      %dma_wait3A_385 = tpu.memref_squeeze %dma_wait3A_384 : memref<1x4x2x2048xf32, #tpu.memory_space<vmem>> -> memref<4x2x2048xf32, #tpu.memory_space<vmem>>
      %dma_wait3A_386 = arith.constant 0 : i32
      %dma_wait3A_387 = arith.constant 0 : i32
      %dma_wait3A_388 = arith.constant 0 : i32
      %dma_wait3A_389 = tpu.memref_slice %arg2[%dma_wait3A_386, %dma_wait3A_387, %dma_wait3A_388] : memref<4x4096x2048xf32, #tpu.memory_space<hbm>> -> memref<4x2x2048xf32, #tpu.memory_space<hbm>>
      tpu.wait_dma2 semaphore(%arg10 : memref<!tpu.dma_semaphore, #tpu.memory_space<semaphore_mem>>) src(%dma_wait3A_389 : memref<4x2x2048xf32, #tpu.memory_space<hbm>>) dst(%dma_wait3A_385 : memref<4x2x2048xf32, #tpu.memory_space<vmem>>)
      %scan3A_390 = arith.constant 0 : i32
      %scan3A_391 = arith.constant 0 : i32
      %scan3A_392 = arith.constant 128 : i32
      %scan3A_393 = arith.addi %scan3A_391, %scan3A_392 : i32
      %scan3A_394 = arith.constant 1 : i32
      scf.for %scan3A_416 = %scan3A_391 to %scan3A_393 step %scan3A_394  : i32 {
        %mul3A_417 = arith.constant 16 : i32
        %mul3A_418 = arith.muli %scan3A_416, %mul3A_417 : i32
        %get3A = arith.constant 3 : i32
        %get3A_419 = arith.constant 0 : i32
        %get3A_420 = arith.index_cast %get3A : i32 to index
        %get3A_421 = arith.index_cast %get3A_419 : i32 to index
        %get3A_422 = arith.index_cast %mul3A_418 : i32 to index
        %get3A_423 = tpu.vector_load %arg5[%get3A_420, %get3A_421, %get3A_422] {strides = array<i32>} : memref<4x2x2048xf32, #tpu.memory_space<vmem>>, vector<1x1x16xf32>,
        %get3A_424 = vector.shape_cast %get3A_423 : vector<1x1x16xf32> to vector<16xf32>
        %get3A_425 = arith.constant 3 : i32
        %get3A_426 = arith.constant 0 : i32
        %get3A_427 = arith.constant 0 : i32
        %get3A_428 = arith.index_cast %get3A_425 : i32 to index
        %get3A_429 = arith.index_cast %get3A_426 : i32 to index
        %get3A_430 = arith.index_cast %get3A_427 : i32 to index
        %get3A_431 = arith.index_cast %mul3A_418 : i32 to index
        %get3A_432 = tpu.vector_load %arg6[%get3A_428, %get3A_429, %get3A_430, %get3A_431] {strides = array<i32>} : memref<4x4x2x2048xf32, #tpu.memory_space<vmem>>, vector<1x1x1x16xf32>,
        %get3A_433 = vector.shape_cast %get3A_432 : vector<1x1x1x16xf32> to vector<16xf32>
        %add3A_434 = arith.addf %get3A_433, %get3A_424 : vector<16xf32>
        %swap3A = arith.constant 3 : i32
        %swap3A_435 = arith.constant 0 : i32
        %swap3A_436 = arith.constant 0 : i32
        %swap3A_437 = arith.index_cast %swap3A : i32 to index
        %swap3A_438 = arith.index_cast %swap3A_435 : i32 to index
        %swap3A_439 = arith.index_cast %swap3A_436 : i32 to index
        %swap3A_440 = arith.index_cast %mul3A_418 : i32 to index
        %swap3A_441 = tpu.vector_load %arg6[%swap3A_437, %swap3A_438, %swap3A_439, %swap3A_440] {strides = array<i32>} : memref<4x4x2x2048xf32, #tpu.memory_space<vmem>>, vector<1x1x1x16xf32>,
        %swap3A_442 = vector.shape_cast %swap3A_441 : vector<1x1x1x16xf32> to vector<16xf32>
        %swap3A_443 = vector.shape_cast %add3A_434 : vector<16xf32> to vector<1x1x1x16xf32>
        tpu.vector_store %arg6[%swap3A_437, %swap3A_438, %swap3A_439, %swap3A_440], %swap3A_443 {strides = array<i32>} : memref<4x4x2x2048xf32, #tpu.memory_space<vmem>>, vector<1x1x1x16xf32>,
        %get3A_444 = arith.constant 3 : i32
        %get3A_445 = arith.constant 1 : i32
        %get3A_446 = arith.constant 0 : i32
        %get3A_447 = arith.index_cast %get3A_444 : i32 to index
        %get3A_448 = arith.index_cast %get3A_445 : i32 to index
        %get3A_449 = arith.index_cast %get3A_446 : i32 to index
        %get3A_450 = arith.index_cast %mul3A_418 : i32 to index
        %get3A_451 = tpu.vector_load %arg6[%get3A_447, %get3A_448, %get3A_449, %get3A_450] {strides = array<i32>} : memref<4x4x2x2048xf32, #tpu.memory_space<vmem>>, vector<1x1x1x16xf32>,
        %get3A_452 = vector.shape_cast %get3A_451 : vector<1x1x1x16xf32> to vector<16xf32>
        %add3A_453 = arith.addf %get3A_452, %get3A_424 : vector<16xf32>
        %swap3A_454 = arith.constant 3 : i32
        %swap3A_455 = arith.constant 1 : i32
        %swap3A_456 = arith.constant 0 : i32
        %swap3A_457 = arith.index_cast %swap3A_454 : i32 to index
        %swap3A_458 = arith.index_cast %swap3A_455 : i32 to index
        %swap3A_459 = arith.index_cast %swap3A_456 : i32 to index
        %swap3A_460 = arith.index_cast %mul3A_418 : i32 to index
        %swap3A_461 = tpu.vector_load %arg6[%swap3A_457, %swap3A_458, %swap3A_459, %swap3A_460] {strides = array<i32>} : memref<4x4x2x2048xf32, #tpu.memory_space<vmem>>, vector<1x1x1x16xf32>,
        %swap3A_462 = vector.shape_cast %swap3A_461 : vector<1x1x1x16xf32> to vector<16xf32>
        %swap3A_463 = vector.shape_cast %add3A_453 : vector<16xf32> to vector<1x1x1x16xf32>
        tpu.vector_store %arg6[%swap3A_457, %swap3A_458, %swap3A_459, %swap3A_460], %swap3A_463 {strides = array<i32>} : memref<4x4x2x2048xf32, #tpu.memory_space<vmem>>, vector<1x1x1x16xf32>,
        %get3A_464 = arith.constant 3 : i32
        %get3A_465 = arith.constant 2 : i32
        %get3A_466 = arith.constant 0 : i32
        %get3A_467 = arith.index_cast %get3A_464 : i32 to index
        %get3A_468 = arith.index_cast %get3A_465 : i32 to index
        %get3A_469 = arith.index_cast %get3A_466 : i32 to index
        %get3A_470 = arith.index_cast %mul3A_418 : i32 to index
        %get3A_471 = tpu.vector_load %arg6[%get3A_467, %get3A_468, %get3A_469, %get3A_470] {strides = array<i32>} : memref<4x4x2x2048xf32, #tpu.memory_space<vmem>>, vector<1x1x1x16xf32>,
        %get3A_472 = vector.shape_cast %get3A_471 : vector<1x1x1x16xf32> to vector<16xf32>
        %add3A_473 = arith.addf %get3A_472, %get3A_424 : vector<16xf32>
        %swap3A_474 = arith.constant 3 : i32
        %swap3A_475 = arith.constant 2 : i32
        %swap3A_476 = arith.constant 0 : i32
        %swap3A_477 = arith.index_cast %swap3A_474 : i32 to index
        %swap3A_478 = arith.index_cast %swap3A_475 : i32 to index
        %swap3A_479 = arith.index_cast %swap3A_476 : i32 to index
        %swap3A_480 = arith.index_cast %mul3A_418 : i32 to index
        %swap3A_481 = tpu.vector_load %arg6[%swap3A_477, %swap3A_478, %swap3A_479, %swap3A_480] {strides = array<i32>} : memref<4x4x2x2048xf32, #tpu.memory_space<vmem>>, vector<1x1x1x16xf32>,
        %swap3A_482 = vector.shape_cast %swap3A_481 : vector<1x1x1x16xf32> to vector<16xf32>
        %swap3A_483 = vector.shape_cast %add3A_473 : vector<16xf32> to vector<1x1x1x16xf32>
        tpu.vector_store %arg6[%swap3A_477, %swap3A_478, %swap3A_479, %swap3A_480], %swap3A_483 {strides = array<i32>} : memref<4x4x2x2048xf32, #tpu.memory_space<vmem>>, vector<1x1x1x16xf32>,
        %get3A_484 = arith.constant 3 : i32
        %get3A_485 = arith.constant 3 : i32
        %get3A_486 = arith.constant 0 : i32
        %get3A_487 = arith.index_cast %get3A_484 : i32 to index
        %get3A_488 = arith.index_cast %get3A_485 : i32 to index
        %get3A_489 = arith.index_cast %get3A_486 : i32 to index
        %get3A_490 = arith.index_cast %mul3A_418 : i32 to index
        %get3A_491 = tpu.vector_load %arg6[%get3A_487, %get3A_488, %get3A_489, %get3A_490] {strides = array<i32>} : memref<4x4x2x2048xf32, #tpu.memory_space<vmem>>, vector<1x1x1x16xf32>,
        %get3A_492 = vector.shape_cast %get3A_491 : vector<1x1x1x16xf32> to vector<16xf32>
        %add3A_493 = arith.addf %get3A_492, %get3A_424 : vector<16xf32>
        %swap3A_494 = arith.constant 3 : i32
        %swap3A_495 = arith.constant 3 : i32
        %swap3A_496 = arith.constant 0 : i32
        %swap3A_497 = arith.index_cast %swap3A_494 : i32 to index
        %swap3A_498 = arith.index_cast %swap3A_495 : i32 to index
        %swap3A_499 = arith.index_cast %swap3A_496 : i32 to index
        %swap3A_500 = arith.index_cast %mul3A_418 : i32 to index
        %swap3A_501 = tpu.vector_load %arg6[%swap3A_497, %swap3A_498, %swap3A_499, %swap3A_500] {strides = array<i32>} : memref<4x4x2x2048xf32, #tpu.memory_space<vmem>>, vector<1x1x1x16xf32>,
        %swap3A_502 = vector.shape_cast %swap3A_501 : vector<1x1x1x16xf32> to vector<16xf32>
        %swap3A_503 = vector.shape_cast %add3A_493 : vector<16xf32> to vector<1x1x1x16xf32>
        tpu.vector_store %arg6[%swap3A_497, %swap3A_498, %swap3A_499, %swap3A_500], %swap3A_503 {strides = array<i32>} : memref<4x4x2x2048xf32, #tpu.memory_space<vmem>>, vector<1x1x1x16xf32>,
        %get3A_504 = arith.constant 3 : i32
        %get3A_505 = arith.constant 1 : i32
        %get3A_506 = arith.index_cast %get3A_504 : i32 to index
        %get3A_507 = arith.index_cast %get3A_505 : i32 to index
        %get3A_508 = arith.index_cast %mul3A_418 : i32 to index
        %get3A_509 = tpu.vector_load %arg5[%get3A_506, %get3A_507, %get3A_508] {strides = array<i32>} : memref<4x2x2048xf32, #tpu.memory_space<vmem>>, vector<1x1x16xf32>,
        %get3A_510 = vector.shape_cast %get3A_509 : vector<1x1x16xf32> to vector<16xf32>
        %get3A_511 = arith.constant 3 : i32
        %get3A_512 = arith.constant 0 : i32
        %get3A_513 = arith.constant 1 : i32
        %get3A_514 = arith.index_cast %get3A_511 : i32 to index
        %get3A_515 = arith.index_cast %get3A_512 : i32 to index
        %get3A_516 = arith.index_cast %get3A_513 : i32 to index
        %get3A_517 = arith.index_cast %mul3A_418 : i32 to index
        %get3A_518 = tpu.vector_load %arg6[%get3A_514, %get3A_515, %get3A_516, %get3A_517] {strides = array<i32>} : memref<4x4x2x2048xf32, #tpu.memory_space<vmem>>, vector<1x1x1x16xf32>,
        %get3A_519 = vector.shape_cast %get3A_518 : vector<1x1x1x16xf32> to vector<16xf32>
        %add3A_520 = arith.addf %get3A_519, %get3A_510 : vector<16xf32>
        %swap3A_521 = arith.constant 3 : i32
        %swap3A_522 = arith.constant 0 : i32
        %swap3A_523 = arith.constant 1 : i32
        %swap3A_524 = arith.index_cast %swap3A_521 : i32 to index
        %swap3A_525 = arith.index_cast %swap3A_522 : i32 to index
        %swap3A_526 = arith.index_cast %swap3A_523 : i32 to index
        %swap3A_527 = arith.index_cast %mul3A_418 : i32 to index
        %swap3A_528 = tpu.vector_load %arg6[%swap3A_524, %swap3A_525, %swap3A_526, %swap3A_527] {strides = array<i32>} : memref<4x4x2x2048xf32, #tpu.memory_space<vmem>>, vector<1x1x1x16xf32>,
        %swap3A_529 = vector.shape_cast %swap3A_528 : vector<1x1x1x16xf32> to vector<16xf32>
        %swap3A_530 = vector.shape_cast %add3A_520 : vector<16xf32> to vector<1x1x1x16xf32>
        tpu.vector_store %arg6[%swap3A_524, %swap3A_525, %swap3A_526, %swap3A_527], %swap3A_530 {strides = array<i32>} : memref<4x4x2x2048xf32, #tpu.memory_space<vmem>>, vector<1x1x1x16xf32>,
        %get3A_531 = arith.constant 3 : i32
        %get3A_532 = arith.constant 1 : i32
        %get3A_533 = arith.constant 1 : i32
        %get3A_534 = arith.index_cast %get3A_531 : i32 to index
        %get3A_535 = arith.index_cast %get3A_532 : i32 to index
        %get3A_536 = arith.index_cast %get3A_533 : i32 to index
        %get3A_537 = arith.index_cast %mul3A_418 : i32 to index
        %get3A_538 = tpu.vector_load %arg6[%get3A_534, %get3A_535, %get3A_536, %get3A_537] {strides = array<i32>} : memref<4x4x2x2048xf32, #tpu.memory_space<vmem>>, vector<1x1x1x16xf32>,
        %get3A_539 = vector.shape_cast %get3A_538 : vector<1x1x1x16xf32> to vector<16xf32>
        %add3A_540 = arith.addf %get3A_539, %get3A_510 : vector<16xf32>
        %swap3A_541 = arith.constant 3 : i32
        %swap3A_542 = arith.constant 1 : i32
        %swap3A_543 = arith.constant 1 : i32
        %swap3A_544 = arith.index_cast %swap3A_541 : i32 to index
        %swap3A_545 = arith.index_cast %swap3A_542 : i32 to index
        %swap3A_546 = arith.index_cast %swap3A_543 : i32 to index
        %swap3A_547 = arith.index_cast %mul3A_418 : i32 to index
        %swap3A_548 = tpu.vector_load %arg6[%swap3A_544, %swap3A_545, %swap3A_546, %swap3A_547] {strides = array<i32>} : memref<4x4x2x2048xf32, #tpu.memory_space<vmem>>, vector<1x1x1x16xf32>,
        %swap3A_549 = vector.shape_cast %swap3A_548 : vector<1x1x1x16xf32> to vector<16xf32>
        %swap3A_550 = vector.shape_cast %add3A_540 : vector<16xf32> to vector<1x1x1x16xf32>
        tpu.vector_store %arg6[%swap3A_544, %swap3A_545, %swap3A_546, %swap3A_547], %swap3A_550 {strides = array<i32>} : memref<4x4x2x2048xf32, #tpu.memory_space<vmem>>, vector<1x1x1x16xf32>,
        %get3A_551 = arith.constant 3 : i32
        %get3A_552 = arith.constant 2 : i32
        %get3A_553 = arith.constant 1 : i32
        %get3A_554 = arith.index_cast %get3A_551 : i32 to index
        %get3A_555 = arith.index_cast %get3A_552 : i32 to index
        %get3A_556 = arith.index_cast %get3A_553 : i32 to index
        %get3A_557 = arith.index_cast %mul3A_418 : i32 to index
        %get3A_558 = tpu.vector_load %arg6[%get3A_554, %get3A_555, %get3A_556, %get3A_557] {strides = array<i32>} : memref<4x4x2x2048xf32, #tpu.memory_space<vmem>>, vector<1x1x1x16xf32>,
        %get3A_559 = vector.shape_cast %get3A_558 : vector<1x1x1x16xf32> to vector<16xf32>
        %add3A_560 = arith.addf %get3A_559, %get3A_510 : vector<16xf32>
        %swap3A_561 = arith.constant 3 : i32
        %swap3A_562 = arith.constant 2 : i32
        %swap3A_563 = arith.constant 1 : i32
        %swap3A_564 = arith.index_cast %swap3A_561 : i32 to index
        %swap3A_565 = arith.index_cast %swap3A_562 : i32 to index
        %swap3A_566 = arith.index_cast %swap3A_563 : i32 to index
        %swap3A_567 = arith.index_cast %mul3A_418 : i32 to index
        %swap3A_568 = tpu.vector_load %arg6[%swap3A_564, %swap3A_565, %swap3A_566, %swap3A_567] {strides = array<i32>} : memref<4x4x2x2048xf32, #tpu.memory_space<vmem>>, vector<1x1x1x16xf32>,
        %swap3A_569 = vector.shape_cast %swap3A_568 : vector<1x1x1x16xf32> to vector<16xf32>
        %swap3A_570 = vector.shape_cast %add3A_560 : vector<16xf32> to vector<1x1x1x16xf32>
        tpu.vector_store %arg6[%swap3A_564, %swap3A_565, %swap3A_566, %swap3A_567], %swap3A_570 {strides = array<i32>} : memref<4x4x2x2048xf32, #tpu.memory_space<vmem>>, vector<1x1x1x16xf32>,
        %get3A_571 = arith.constant 3 : i32
        %get3A_572 = arith.constant 3 : i32
        %get3A_573 = arith.constant 1 : i32
        %get3A_574 = arith.index_cast %get3A_571 : i32 to index
        %get3A_575 = arith.index_cast %get3A_572 : i32 to index
        %get3A_576 = arith.index_cast %get3A_573 : i32 to index
        %get3A_577 = arith.index_cast %mul3A_418 : i32 to index
        %get3A_578 = tpu.vector_load %arg6[%get3A_574, %get3A_575, %get3A_576, %get3A_577] {strides = array<i32>} : memref<4x4x2x2048xf32, #tpu.memory_space<vmem>>, vector<1x1x1x16xf32>,
        %get3A_579 = vector.shape_cast %get3A_578 : vector<1x1x1x16xf32> to vector<16xf32>
        %add3A_580 = arith.addf %get3A_579, %get3A_510 : vector<16xf32>
        %swap3A_581 = arith.constant 3 : i32
        %swap3A_582 = arith.constant 3 : i32
        %swap3A_583 = arith.constant 1 : i32
        %swap3A_584 = arith.index_cast %swap3A_581 : i32 to index
        %swap3A_585 = arith.index_cast %swap3A_582 : i32 to index
        %swap3A_586 = arith.index_cast %swap3A_583 : i32 to index
        %swap3A_587 = arith.index_cast %mul3A_418 : i32 to index
        %swap3A_588 = tpu.vector_load %arg6[%swap3A_584, %swap3A_585, %swap3A_586, %swap3A_587] {strides = array<i32>} : memref<4x4x2x2048xf32, #tpu.memory_space<vmem>>, vector<1x1x1x16xf32>,
        %swap3A_589 = vector.shape_cast %swap3A_588 : vector<1x1x1x16xf32> to vector<16xf32>
        %swap3A_590 = vector.shape_cast %add3A_580 : vector<16xf32> to vector<1x1x1x16xf32>
        tpu.vector_store %arg6[%swap3A_584, %swap3A_585, %swap3A_586, %swap3A_587], %swap3A_590 {strides = array<i32>} : memref<4x4x2x2048xf32, #tpu.memory_space<vmem>>, vector<1x1x1x16xf32>,
      }
      %scan3A_395 = arith.constant 128 : i32
      %mul3A_396 = arith.constant 2 : i32
      %mul3A_397 = arith.muli %add3A_341, %mul3A_396 : i32
      %add3A_398 = arith.addi %mul3A_2, %mul3A_397 : i32
      %dma_start3A_399 = arith.constant 3 : i32
      %dma_start3A_400 = arith.constant 0 : i32
      %dma_start3A_401 = arith.constant 0 : i32
      %dma_start3A_402 = arith.constant 0 : i32
      %dma_start3A_403 = tpu.memref_slice %arg6[%dma_start3A_399, %dma_start3A_400, %dma_start3A_401, %dma_start3A_402] : memref<4x4x2x2048xf32, #tpu.memory_space<vmem>> -> memref<1x4x2x2048xf32, #tpu.memory_space<vmem>>
      %dma_start3A_404 = tpu.memref_squeeze %dma_start3A_403 : memref<1x4x2x2048xf32, #tpu.memory_space<vmem>> -> memref<4x2x2048xf32, #tpu.memory_space<vmem>>
      %dma_start3A_405 = arith.constant 0 : i32
      %dma_start3A_406 = arith.constant 0 : i32
      %dma_start3A_407 = tpu.memref_slice %arg4[%dma_start3A_405, %add3A_398, %dma_start3A_406] : memref<4x4096x2048xf32, #tpu.memory_space<hbm>> -> memref<4x2x2048xf32, #tpu.memory_space<hbm>>
      %dma_start3A_408 = arith.constant 0 : i32
      %dma_start3A_409 = arith.constant 0 : i32
      %dma_start3A_410 = tpu.memref_slice %arg4[%dma_start3A_408, %add3A_398, %dma_start3A_409] : memref<4x4096x2048xf32, #tpu.memory_space<hbm>> -> memref<4x2x2048xf32, #tpu.memory_space<hbm>>
      %dma_start3A_411 = arith.constant 0 : i32
      %dma_start3A_412 = arith.constant 0 : i32
      %dma_start3A_413 = arith.constant 0 : i32
      %dma_start3A_414 = tpu.memref_slice %arg6[%dma_start3A_399, %dma_start3A_411, %dma_start3A_412, %dma_start3A_413] : memref<4x4x2x2048xf32, #tpu.memory_space<vmem>> -> memref<1x4x2x2048xf32, #tpu.memory_space<vmem>>
      %dma_start3A_415 = tpu.memref_squeeze %dma_start3A_414 : memref<1x4x2x2048xf32, #tpu.memory_space<vmem>> -> memref<4x2x2048xf32, #tpu.memory_space<vmem>>
      tpu.enqueue_dma source(%dma_start3A_415 : memref<4x2x2048xf32, #tpu.memory_space<vmem>>) target(%dma_start3A_410 : memref<4x2x2048xf32, #tpu.memory_space<hbm>>) target_semaphore(%arg14 : memref<!tpu.dma_semaphore, #tpu.memory_space<semaphore_mem>>)
    }
    %scan3A_70 = arith.constant 16 : i32
    %dma_wait3A = arith.constant 2 : i32
    %dma_wait3A_71 = arith.constant 0 : i32
    %dma_wait3A_72 = arith.constant 0 : i32
    %dma_wait3A_73 = arith.constant 0 : i32
    %dma_wait3A_74 = tpu.memref_slice %arg6[%dma_wait3A, %dma_wait3A_71, %dma_wait3A_72, %dma_wait3A_73] : memref<4x4x2x2048xf32, #tpu.memory_space<vmem>> -> memref<1x4x2x2048xf32, #tpu.memory_space<vmem>>
    %dma_wait3A_75 = tpu.memref_squeeze %dma_wait3A_74 : memref<1x4x2x2048xf32, #tpu.memory_space<vmem>> -> memref<4x2x2048xf32, #tpu.memory_space<vmem>>
    %dma_wait3A_76 = arith.constant 0 : i32
    %dma_wait3A_77 = arith.constant 0 : i32
    %dma_wait3A_78 = arith.constant 0 : i32
    %dma_wait3A_79 = tpu.memref_slice %arg4[%dma_wait3A_76, %dma_wait3A_77, %dma_wait3A_78] : memref<4x4096x2048xf32, #tpu.memory_space<hbm>> -> memref<4x2x2048xf32, #tpu.memory_space<hbm>>
    %dma_wait3A_80 = arith.constant 0 : i32
    %dma_wait3A_81 = arith.constant 0 : i32
    %dma_wait3A_82 = arith.constant 0 : i32
    %dma_wait3A_83 = tpu.memref_slice %arg4[%dma_wait3A_80, %dma_wait3A_81, %dma_wait3A_82] : memref<4x4096x2048xf32, #tpu.memory_space<hbm>> -> memref<4x2x2048xf32, #tpu.memory_space<hbm>>
    %dma_wait3A_84 = arith.constant 0 : i32
    %dma_wait3A_85 = arith.constant 0 : i32
    %dma_wait3A_86 = arith.constant 0 : i32
    %dma_wait3A_87 = tpu.memref_slice %arg6[%dma_wait3A, %dma_wait3A_84, %dma_wait3A_85, %dma_wait3A_86] : memref<4x4x2x2048xf32, #tpu.memory_space<vmem>> -> memref<1x4x2x2048xf32, #tpu.memory_space<vmem>>
    %dma_wait3A_88 = tpu.memref_squeeze %dma_wait3A_87 : memref<1x4x2x2048xf32, #tpu.memory_space<vmem>> -> memref<4x2x2048xf32, #tpu.memory_space<vmem>>
    tpu.wait_dma2 semaphore(%arg13 : memref<!tpu.dma_semaphore, #tpu.memory_space<semaphore_mem>>) src(%dma_wait3A_88 : memref<4x2x2048xf32, #tpu.memory_space<vmem>>) dst(%dma_wait3A_83 : memref<4x2x2048xf32, #tpu.memory_space<hbm>>)
    %dma_wait3A_89 = arith.constant 3 : i32
    %dma_wait3A_90 = arith.constant 0 : i32
    %dma_wait3A_91 = arith.constant 0 : i32
    %dma_wait3A_92 = arith.constant 0 : i32
    %dma_wait3A_93 = tpu.memref_slice %arg6[%dma_wait3A_89, %dma_wait3A_90, %dma_wait3A_91, %dma_wait3A_92] : memref<4x4x2x2048xf32, #tpu.memory_space<vmem>> -> memref<1x4x2x2048xf32, #tpu.memory_space<vmem>>
    %dma_wait3A_94 = tpu.memref_squeeze %dma_wait3A_93 : memref<1x4x2x2048xf32, #tpu.memory_space<vmem>> -> memref<4x2x2048xf32, #tpu.memory_space<vmem>>
    %dma_wait3A_95 = arith.constant 0 : i32
    %dma_wait3A_96 = arith.constant 0 : i32
    %dma_wait3A_97 = arith.constant 0 : i32
    %dma_wait3A_98 = tpu.memref_slice %arg4[%dma_wait3A_95, %dma_wait3A_96, %dma_wait3A_97] : memref<4x4096x2048xf32, #tpu.memory_space<hbm>> -> memref<4x2x2048xf32, #tpu.memory_space<hbm>>
    %dma_wait3A_99 = arith.constant 0 : i32
    %dma_wait3A_100 = arith.constant 0 : i32
    %dma_wait3A_101 = arith.constant 0 : i32
    %dma_wait3A_102 = tpu.memref_slice %arg4[%dma_wait3A_99, %dma_wait3A_100, %dma_wait3A_101] : memref<4x4096x2048xf32, #tpu.memory_space<hbm>> -> memref<4x2x2048xf32, #tpu.memory_space<hbm>>
    %dma_wait3A_103 = arith.constant 0 : i32
    %dma_wait3A_104 = arith.constant 0 : i32
    %dma_wait3A_105 = arith.constant 0 : i32
    %dma_wait3A_106 = tpu.memref_slice %arg6[%dma_wait3A_89, %dma_wait3A_103, %dma_wait3A_104, %dma_wait3A_105] : memref<4x4x2x2048xf32, #tpu.memory_space<vmem>> -> memref<1x4x2x2048xf32, #tpu.memory_space<vmem>>
    %dma_wait3A_107 = tpu.memref_squeeze %dma_wait3A_106 : memref<1x4x2x2048xf32, #tpu.memory_space<vmem>> -> memref<4x2x2048xf32, #tpu.memory_space<vmem>>
    tpu.wait_dma2 semaphore(%arg14 : memref<!tpu.dma_semaphore, #tpu.memory_space<semaphore_mem>>) src(%dma_wait3A_107 : memref<4x2x2048xf32, #tpu.memory_space<vmem>>) dst(%dma_wait3A_102 : memref<4x2x2048xf32, #tpu.memory_space<hbm>>)
    return
  }
}

</mosaic_0001>

<sc_bundles>
// kernel: kernel.3.cloned.1.call-start
scs
__scs_entry_jumppad:
0x0: {  	(pc) =	sbr.rel $0x88, $3  }
0x1: {  	(tag) =	ssettag $0x0;
	lr =	simm.s32 $0x1  }
0x2: {  	[smem:$0x3F9F] =	sst lr;
	_ =	strace $0xD0000000  }
0x3: {  	_ = 	snop  }
0x4: {  	_ = 	snop  }
0x5: {  	_ = 	snop  }
0x6: {  	_ = 	snop  }
0x7: {  	_ = 	snop  }
__scs_overlays_trampoline_lowered:
0x8: {  	[smem:$0x3FAE] =	sst s0  }
0x9: {  	[smem:$0x3FAF] =	sst s1  }
0xa: {  	[smem:$0x3FB0] =	sst s2  }
0xb: {  	[smem:$0x3FB1] =	sst s3  }
0xc: {  	[smem:$0x3FB2] =	sst s4  }
0xd: {  	[smem:$0x3FB3] =	sst s5  }
0xe: {  	[smem:$0x3FB4] =	sst s6  }
0xf: {  	[smem:$0x3FB5] =	sst s7  }
0x10: {  	[smem:$0x3FB6] =	sst s8  }
0x11: {  	[smem:$0x3FB7] =	sst s9;
	s0 =	simm.s32 @!p0 $0x0  }
0x12: {  	s1 =	sld [smem:$0x3F9D];
	s0 =	simm.s32 @p0 $0x1  }
0x13: {  	[smem:$0x3FB8] =	sst s0;
	s0 =	simm.s32 @!p1 $0x0  }
0x14: {  	s2 =	sld [smem:$0x3F9C];
	s0 =	simm.s32 @p1 $0x1  }
0x15: {  	[smem:$0x3FB9] =	sst s0;
	s0 =	simm.s32 @!p2 $0x0  }
0x16: {  	s3 =	sld [smem:$0x3FDB];
	s0 =	simm.s32 @p2 $0x1  }
0x17: {  	s4 =	simm.s32 $0x1BF5;
	[smem:$0x3FBB] =	sst s0  }
0x18: {  	s0 =	sld [smem:$0x3F9E];
	_ =	swait.ge [sflag:s4], $0x0  }
0x19: {  	s7 =	sld [smem:$0x3F9F]  }
0x1a: {  	s8 =	sadd.s32 $0xFFFFE003, lr  }
0x1b: {  	s9 =	sadd.s32 $0xFFFFFEF7, lr;
	s5 =	simm.s32 $0xFFFFFFFF;
	p2 =	slt.u32 s8, $0xFFFFF086  }
0x1c: {  	p1 =	slt.u32 s9, $0xF7A;
	s5 =	simm.s32 @!p2 $0x0  }
0x1d: {  	s5 =	simm.s32 @p1 $0x1;
	p0 =	seq.s32 s7, s2  }
0x1e: {  	s7 =	smul.u32 @!p0 $0xF7A, s2;
	p2 =	seq.s32 @!p0 s5, $0x0  }
0x1f: {  	s9 =	smul.u32 $0xF7A, s1;
	s8 =	simm.s32 @!p0 $0x1BF5;
	p2 =	por !p2, p0  }
0x20: {  	[sflag:s8] =	ssyncset.s32 @!p0 $0xFFFFF086;
	s6 =	sadd.s32 @!p0 s3, s7;
	s7 =	simm.s32 @!p0 $0x108  }
0x21: {  	s3 =	sadd.s32 s3, s9;
	s6 =	sadd.s32 @!p0 $0x88, s6;
	s7 =	simm.s32 @p2 $0x1082  }
0x22: {  	[simem:s7], [sflag:s8] =	dma.local @!p0 [hbm:s6], $0xF7A  }
0x23: {  	s9 =	sor.u32 $0xD0000000, s2;
	s6 =	simm.s32 $0x108;
	_ =	swait.ge @!p0 [sflag:s8], $0x0  }
0x24: {  	s3 =	sadd.s32 $0x88, s3;
	s6 =	simm.s32 @!p1 $0x1082;
	[sflag:s4] =	ssyncset.s32 $0xFFFFF086  }
0x25: {  	[simem:s6], [sflag:s4] =	dma.local [hbm:s3], $0xF7A  }
0x26: {  	[smem:$0x3F9F] =	sst s1;
	(tag) =	ssettag s2;
	_ =	strace s9  }
0x27: {  	s1 =	sld [smem:$0x3FAF]  }
0x28: {  	s2 =	sld [smem:$0x3FB0]  }
0x29: {  	s4 =	sld [smem:$0x3FB2]  }
0x2a: {  	p0 =	seq.s32 s5, $0x0;
	s5 =	sld [smem:$0x3FB3]  }
0x2b: {  	s6 =	sld [smem:$0x3FB4]  }
0x2c: {  	s7 =	sld [smem:$0x3FB5]  }
0x2d: {  	s3 =	simm.s32 $0x108;
	s8 =	sld [smem:$0x3FB6]  }
0x2e: {  	s3 =	simm.s32 @!p0 $0x1082;
	s9 =	sld [smem:$0x3FB7]  }
0x2f: {  	lr =	sadd.s32 s0, s3;
	s0 =	sld [smem:$0x3FAE]  }
0x30: {  	s3 =	sld [smem:$0x3FB1]  }
0x31: {  	[smem:$0x3FBA] =	sst s10  }
0x32: {  	s10 =	sld [smem:$0x3FB8];
	_ =	sdelay $0x3  }
0x33: {  	p0 =	seq.s32 s10, $0x1;
	s10 =	sld [smem:$0x3FBA];
	_ =	sdelay $0x3  }
0x34: {  	[smem:$0x3FBA] =	sst s10  }
0x35: {  	s10 =	sld [smem:$0x3FB9];
	_ =	sdelay $0x3  }
0x36: {  	p1 =	seq.s32 s10, $0x1;
	s10 =	sld [smem:$0x3FBA];
	_ =	sdelay $0x3  }
0x37: {  	[smem:$0x3FBA] =	sst s10  }
0x38: {  	s10 =	sld [smem:$0x3FBB]  }
0x39: {  	_ = 	snop;
	(pc) =	sbr.ind lr, $3  }
0x3a: {  	_ = 	snop  }
0x3b: {  	_ = 	snop  }
0x3c: {  	p2 =	seq.s32 s10, $0x1;
	s10 =	sld [smem:$0x3FBA]  }
0x3d: {  	_ =	shalt  }
0x3e: {  	_ =	shalt  }
0x3f: {  	_ =	shalt  }
0x40: {  	_ =	shalt  }
0x41: {  	_ =	shalt  }
0x42: {  	_ =	shalt  }
0x43: {  	_ =	shalt  }
0x44: {  	_ =	shalt  }
0x45: {  	_ =	shalt  }
0x46: {  	_ =	shalt  }
0x47: {  	_ =	shalt  }
0x48: {  	_ =	shalt  }
0x49: {  	_ =	shalt  }
0x4a: {  	_ =	shalt  }
0x4b: {  	_ =	shalt  }
0x4c: {  	_ =	shalt  }
0x4d: {  	_ =	shalt  }
0x4e: {  	_ =	shalt  }
0x4f: {  	_ =	shalt  }
0x50: {  	_ =	shalt  }
0x51: {  	_ =	shalt  }
0x52: {  	_ =	shalt  }
0x53: {  	_ =	shalt  }
0x54: {  	_ =	shalt  }
0x55: {  	_ =	shalt  }
0x56: {  	_ =	shalt  }
0x57: {  	_ =	shalt  }
0x58: {  	_ =	shalt  }
0x59: {  	_ =	shalt  }
0x5a: {  	_ =	shalt  }
0x5b: {  	_ =	shalt  }
0x5c: {  	_ =	shalt  }
0x5d: {  	_ =	shalt  }
0x5e: {  	_ =	shalt  }
0x5f: {  	_ =	shalt  }
0x60: {  	_ =	shalt  }
0x61: {  	_ =	shalt  }
0x62: {  	_ =	shalt  }
0x63: {  	_ =	shalt  }
0x64: {  	_ =	shalt  }
0x65: {  	_ =	shalt  }
0x66: {  	_ =	shalt  }
0x67: {  	_ =	shalt  }
0x68: {  	_ =	shalt  }
0x69: {  	_ =	shalt  }
0x6a: {  	_ =	shalt  }
0x6b: {  	_ =	shalt  }
0x6c: {  	_ =	shalt  }
0x6d: {  	_ =	shalt  }
0x6e: {  	_ =	shalt  }
0x6f: {  	_ =	shalt  }
0x70: {  	_ =	shalt  }
0x71: {  	_ =	shalt  }
0x72: {  	_ =	shalt  }
0x73: {  	_ =	shalt  }
0x74: {  	_ =	shalt  }
0x75: {  	_ =	shalt  }
0x76: {  	_ =	shalt  }
0x77: {  	_ =	shalt  }
0x78: {  	_ =	shalt  }
0x79: {  	_ =	shalt  }
0x7a: {  	_ =	shalt  }
0x7b: {  	_ =	shalt  }
0x7c: {  	_ =	shalt  }
0x7d: {  	_ =	shalt  }
0x7e: {  	_ =	shalt  }
0x7f: {  	_ =	shalt  }
0x80: {  	_ =	shalt  }
0x81: {  	_ =	shalt  }
0x82: {  	_ =	shalt  }
0x83: {  	_ =	shalt  }
0x84: {  	_ =	shalt  }
0x85: {  	_ =	shalt  }
0x86: {  	_ =	shalt  }
0x87: {  	_ =	shalt  }
.Lfunc_end0:
.L_simem_size_0:
called_computation_lowered:
.L_overlay_start_0:
0x88: {  	s2 =	sld [smem:$0x3FD9]  }
0x89: {  	s3 =	sld [smem:$0x3FFE];
	_ =	sdelay $0x1  }
0x8a: {  	s1 =	srdreg.scid  }
0x8b: {  	s0 =	sand.u32 $0x1, s1  }
0x8c: {  	s18 =	sshll.u32 s0, $0xA;
	s2 =	sadd.s32 s3, s2  }
0x8d: {  	s2 =	sadd.s32 s2, s18  }
0x8e: {  	[smem:$0x3FC6] =	sst s2  }
0x8f: {  	_ = 	snop  }
0x90: {  	s2 =	sld [smem:$0x3FC9]  }
0x91: {  	s19 =	sld [smem:$0x3FC8]  }
0x92: {  	s4 =	sld [smem:$0x3FD0];
	(tm) =	ssettm $0x1  }
0x93: {  	s5 =	sld [smem:$0x3FFB];
	_ =	sdelay $0x3  }
0x94: {  	_ =	strace s5  }
0x95: {  	s5 =	sld [smem:$0x3FFC];
	_ =	sdelay $0x3  }
0x96: {  	_ =	strace s5  }
0x97: {  	s5 =	sld [smem:$0x3FFD];
	_ =	sdelay $0x3  }
0x98: {  	_ =	strace s5  }
0x99: {  	_ =	strace $0x8FFFFFFF  }
0x9a: {  	s20 =	sld [smem:$0x3FDB];
	_ =	sdelay $0x1  }
0x9b: {  	s6 =	simm.s32 $_scs_section_size  }
0x9c: {  	s7 =	simm.s32 $_size__tile_overlayer_lowered;
	s8 =	simm.s32 $_tile_overlayer_lowered  }
0x9d: {  	s23 =	simm.s32 $0x1BFF;
	s22 =	sshll.u32 s8, $0x1;
	s5 =	sadd.s32 s6, s20  }
0x9e: {  	s9 =	simm.s32 $0x0;
	s21 =	sshll.u32 s7, $0x1;
	s7 =	sadd.s32 s22, s5  }
0x9f: {  	[timem:s9], [sflag:s23] =	dma.local [hbm:s7], s21  }
0xa0: {  	_ =	swait.ge [sflag:s23], s21  }
0xa1: {  	s6 =	ssub.s32 $0x0, s21;
	[sflag:s23] =	ssyncset.done $0x0  }
0xa2: {  	[sflag:s23] =	ssyncadd.s32 s6;
	_ =	sdelay $0x1  }
0xa3: {  	s24 =	simm.s32 $0x1B8B  }
0xa4: {  	_ =	swait.ge [sflag:s24], $0x1  }
0xa5: {  	[sflag:s24] =	ssyncset.done $0x0  }
0xa6: {  	s25 =	simm.s32 $0x1B8E;
	[sflag:s24] =	ssyncadd.s32 $0xFFFFFFFF  }
0xa7: {  	s26 =	simm.s32 $execute0_lowered;
	[smem:$0x3FD2] =	sst s25  }
0xa8: {  	s6 =	sshll.u32 s26, $0x1;
	_ =	strace $0x80000046;
	[dreg:$0x1] =	wrdreg $0xFFFFFFFF  }
0xa9: {  	s28 =	simm.s32 $_size_execute0_lowered;
	s5 =	sadd.s32 s5, s6;
	[dreg:$0x0] =	wrdreg $0x0  }
0xaa: {  	s6 =	sshll.u32 s28, $0x1;
	[dreg:$0x2] =	wrdreg s5  }
0xab: {  	[dreg:$0x3] =	wrdreg s6  }
0xac: {  	[dreg:$0x4] =	wrdreg $0xC0  }
0xad: {  	_ =	task [dreg:s9], $0x5FFFF  }
0xae: {  	[dreg:$0x1] =	wrdreg $0xFFFFFFFF  }
0xaf: {  	[dreg:$0x0] =	wrdreg $0x60  }
0xb0: {  	[dreg:$0x2] =	wrdreg s2  }
0xb1: {  	[dreg:$0x3] =	wrdreg s19  }
0xb2: {  	[dreg:$0x4] =	wrdreg s4  }
0xb3: {  	[dreg:$0x5] =	wrdreg $0x9  }
0xb4: {  	_ =	task.clear_ibuf [dreg:s9], $0x6FFFF;
	_ =	strace $0x90000046  }
0xb5: {  	s29 =	simm.s32 $0x9;
	_ =	strace $0x80000048  }
0xb6: {  	_ =	swait.ge [sflag:s29], $0x1  }
0xb7: {  	[sflag:s29] =	ssyncadd.s32 $0xFFFFFFFF  }
0xb8: {  	_ =	strace $0x90000048  }
0xb9: {  	_ =	sfence  }
0xba: {  	s30 =	sld [smem:$0x0];
	_ =	sdelay $0x2  }
0xbb: {  	s31 =	sshll.u32 s1, $0xD;
	s1 =	sshrl.u32 s1, $0x2  }
0xbc: {  	s3 =	sand.u32 $0x4000, s31;
	s1 =	sadd.s32 s1, s30  }
0xbd: {  	s0 =	sor.u32 s3, s0;
	s1 =	sshll.u32 s1, $0x11  }
0xbe: {  	s0 =	sor.u32 s1, s0  }
0xbf: {  	s0 =	sadd.s32 $0x8F2B, s0  }
0xc0: {  	[sflag:s0] =	ssyncadd.remote.s32 $0x1  }
0xc1: {  	_ =	sfence.sel $0xFFFF  }
0xc2: {  	[dreg:$0x0] =	wrdreg $0xFFFFFFFF;
	(pc) =	sbr.abs _section_cstart, $3  }
0xc3: {  	[dreg:$0x1] =	wrdreg $0xFFFFFFFF  }
0xc4: {  	_ =	task.clear_ibuf [dreg:s9], $0x2FFFF;
	_ =	strace $0x9FFFFFFF  }
0xc5: {  	(tm) =	ssettm $0x7FFFFFFF  }
tec
execute0_lowered:
.L_overlay_start_1:
0x0: {  	(tag) =	ssettag $0x1  }
0x1: {  	s2 =	rddreg [dreg:$0x0]  }
0x2: {  	s3 =	rddreg [dreg:$0x1]  }
0x3: {  	s0 =	srdreg.scid;
	s4 =	rddreg [dreg:$0x2]  }
0x4: {  	s1 =	stileid.u32;
	s6 =	simm.s32 $0x0;
	s29 =	simm.s32 $0xC000  }
0x5: {  	s9 =	simm.s32 $0xE000;
	s15 =	simm.s32 $0xF000;
	s16 =	simm.s32 $0x1  }
0x6: {  	s10 =	simm.s32 $0x5;
	s17 =	simm.s32 $0x6;
	s0 =	sand.u32 $0x1, s0  }
0x7: {  	s1 =	sshll.u32 s1, $0x8;
	[smem:$0x7FF] =	sst s6;
	s22 =	sadd.s32 $0x20, s4  }
0x8: {  	s6 =	simm.s32 $0x0;
	s5 =	sshll.u32 s0, $0x7;
	s0 =	ssub.s32 $0x2, s0  }
0x9: {  	_ =	strace $0x80000047;
	[dreg:$0x9] =	wrdreg s22;
	s1 =	sor.u32 s5, s1  }
0xa: {  	s22 =	simm.s32 $0x100;
	s19 =	sshll.u32 s1, $0x8;
	s1 =	sshrl.u32 s1, $0x3  }
0xb: {  	s18 =	sshrl.u32 s0, $0x1;
	s7 =	sadd.s32 s3, s19;
	[dreg:$0x8] =	wrdreg s1  }
0xc: {  	s0 =	ssub.s32 s0, s18;
	s23 =	sor.u32 $0x800, s19;
	[dreg:$0x4] =	wrdreg s7  }
0xd: {  	s18 =	simm.s32 $0x10000;
	s0 =	smax.u32 s0, $0x1;
	[dreg:$0xa] =	wrdreg s23  }
0xe: {  	s20 =	sor.u32 $0x20, s19;
	s21 =	sadd.s32 s2, s19;
	[dreg:$0xb] =	wrdreg s0  }
0xf: {  	s13 =	smov.u32 s19;
	s8 =	sadd.s32 s3, s20;
	[dreg:$0x5] =	wrdreg s21  }
0x10: {  	s14 =	sor.u32 $0x820, s19;
	s24 =	sadd.s32 $0x100000, s21;
	[dreg:$0x6] =	wrdreg s8  }
0x11: {  	s19 =	simm.s32 $0x11000;
	s25 =	sadd.s32 $0x200000, s21;
	[dreg:$0xc] =	wrdreg s24  }
0x12: {  	s5 =	sadd.s32 s2, s20;
	s26 =	sadd.s32 $0x300000, s21;
	[dreg:$0xd] =	wrdreg s25  }
0x13: {  	s23 =	simm.s32 $0x400;
	s7 =	simm.s32 $0xD000;
	[dreg:$0xe] =	wrdreg s26  }
0x14: {  	s20 =	simm.s32 $0x12000;
	s28 =	sadd.s32 $0x100000, s5;
	[dreg:$0x7] =	wrdreg s5  }
0x15: {  	s21 =	simm.s32 $0x13000;
	s30 =	sadd.s32 $0x200000, s5;
	[dreg:$0xf] =	wrdreg s28  }
0x16: {  	s31 =	sadd.s32 $0x300000, s5;
	s8 =	simm.s32 $0x2;
	[dreg:$0x10] =	wrdreg s30  }
0x17: {  	s5 =	simm.s32 $0x3;
	s24 =	simm.s32 $0x4;
	[dreg:$0x11] =	wrdreg s31  }
.LBB2_1:
0x18: {  	[dreg:$0x12] =	wrdreg s6  }
0x19: {  	s0 =	simm.s32 $0x0;
	s1 =	rddreg [dreg:$0x4]  }
0x1a: {  	[tilespmem:s0], [sflag:$0x1] =	stream.strided.gather [hbm4b:s1+s22], $0x1000, s23, s22, $0x38;
	[tilespmem:$0x14000] =	vst v63  }
0x1b: {  	s30 =	rddreg [dreg:$0x5];
	s31 =	simm.s32 $0x4000  }
0x1c: {  	[tilespmem:s31], [sflag:$0x1] =	stream.strided.gather [hbm4b:s30+s22], $0x1000, s23, s22, $0x38;
	[tilespmem:$0x14000] =	vst v63  }
0x1d: {  	s6 =	rddreg [dreg:$0xc];
	s11 =	simm.s32 $0x5000  }
0x1e: {  	[tilespmem:s11], [sflag:$0x1] =	stream.strided.gather [hbm4b:s6+s22], $0x1000, s23, s22, $0x38;
	[tilespmem:$0x14000] =	vst v63  }
0x1f: {  	s12 =	rddreg [dreg:$0xd];
	s25 =	simm.s32 $0x6000  }
0x20: {  	[tilespmem:s25], [sflag:$0x1] =	stream.strided.gather [hbm4b:s12+s22], $0x1000, s23, s22, $0x38;
	[tilespmem:$0x14000] =	vst v63  }
0x21: {  	s26 =	rddreg [dreg:$0xe];
	s28 =	simm.s32 $0x7000  }
0x22: {  	[tilespmem:s28], [sflag:$0x1] =	stream.strided.gather [hbm4b:s26+s22], $0x1000, s23, s22, $0x38;
	[tilespmem:$0x14000] =	vst v63  }
0x23: {  	s30 =	rddreg [dreg:$0x6];
	s31 =	simm.s32 $0x1000  }
0x24: {  	[tilespmem:s31], [sflag:$0x2] =	stream.strided.gather [hbm4b:s30+s22], $0x1000, s23, s22, $0x38;
	[tilespmem:$0x14000] =	vst v63  }
0x25: {  	s6 =	rddreg [dreg:$0x7];
	s11 =	simm.s32 $0x8000  }
0x26: {  	[tilespmem:s11], [sflag:$0x2] =	stream.strided.gather [hbm4b:s6+s22], $0x1000, s23, s22, $0x38;
	[tilespmem:$0x14000] =	vst v63  }
0x27: {  	s12 =	rddreg [dreg:$0xf];
	s25 =	simm.s32 $0x9000  }
0x28: {  	[tilespmem:s25], [sflag:$0x2] =	stream.strided.gather [hbm4b:s12+s22], $0x1000, s23, s22, $0x38;
	[tilespmem:$0x14000] =	vst v63  }
0x29: {  	s26 =	rddreg [dreg:$0x10];
	s28 =	simm.s32 $0xA000  }
0x2a: {  	[tilespmem:s28], [sflag:$0x2] =	stream.strided.gather [hbm4b:s26+s22], $0x1000, s23, s22, $0x38;
	[tilespmem:$0x14000] =	vst v63  }
0x2b: {  	s30 =	rddreg [dreg:$0x11];
	s31 =	simm.s32 $0xB000;
	s25 =	simm.s32 $0x0  }
0x2c: {  	[tilespmem:s31], [sflag:$0x2] =	stream.strided.gather [hbm4b:s30+s22], $0x1000, s23, s22, $0x38;
	[tilespmem:$0x14000] =	vst v63  }
.LBB2_2:
0x2d: {  	p0 =	seq.s32 s25, $0x0  }
0x2e: {  	s26 =	sshll.u32 s25, $0xB;
	s0 =	simm.s32 @!p0 $0x7  }
0x2f: {  	s31 =	sor.u32 s13, s26;
	_ =	swait.ge @!p0 [sflag:s0], $0x4000  }
0x30: {  	s30 =	sor.u32 $0x40, s31;
	[sflag:s0] =	ssyncset.done @!p0 $0x0  }
0x31: {  	s1 =	simm.s32 $0x2000;
	s6 =	sadd.s32 s3, s30;
	[sflag:s0] =	ssyncadd.s32 @!p0 $0xFFFFC000  }
0x32: {  	[tilespmem:s1], [sflag:$0x3] =	stream.strided.gather [hbm4b:s6+s22], $0x1000, s23, s22, $0x38;
	[tilespmem:$0x14000] =	vst v63  }
0x33: {  	s11 =	sadd.s32 s2, s30  }
0x34: {  	[tilespmem:s29], [sflag:$0x3] =	stream.strided.gather [hbm4b:s11+s22], $0x1000, s23, s22, $0x38;
	[tilespmem:$0x14000] =	vst v63  }
0x35: {  	s12 =	sadd.s32 $0x100000, s11  }
0x36: {  	[tilespmem:s7], [sflag:$0x3] =	stream.strided.gather [hbm4b:s12+s22], $0x1000, s23, s22, $0x38;
	[tilespmem:$0x14000] =	vst v63  }
0x37: {  	s6 =	sadd.s32 $0x200000, s11  }
0x38: {  	[tilespmem:s9], [sflag:$0x3] =	stream.strided.gather [hbm4b:s6+s22], $0x1000, s23, s22, $0x38;
	[tilespmem:$0x14000] =	vst v63  }
0x39: {  	s0 =	sadd.s32 $0x300000, s11  }
0x3a: {  	[tilespmem:s15], [sflag:$0x3] =	stream.strided.gather [hbm4b:s0+s22], $0x1000, s23, s22, $0x38;
	[tilespmem:$0x14000] =	vst v63  }
0x3b: {  	_ =	swait.ge [sflag:s16], $0x1000  }
0x3c: {  	[sflag:s16] =	ssyncset.done $0x0  }
0x3d: {  	[sflag:s16] =	ssyncadd.s32 $0xFFFFF000  }
0x3e: {  	s11 =	simm.s32 $0x0;
	_ =	swait.ge [sflag:s16], $0x4000  }
0x3f: {  	s12 =	sand.u32 $0x70, s11;
	s0 =	sand.u32 $0xF00, s11;
	[sflag:s16] =	ssyncset.done $0x0  }
0x40: {  	s28 =	sor.u32 s12, s0;
	[sflag:s16] =	ssyncadd.s32 $0xFFFFC000  }
0x41: {  	v1 =	vld [tilespmem:s28+$0x0]  }
0x42: {  	v0 =	vld [tilespmem:s28+$0x80]  }
0x43: {  	v3 =	vld [tilespmem:s28+$0x4000]  }
0x44: {  	v6 =	vld [tilespmem:s28+$0x5000]  }
0x45: {  	v5 =	vld [tilespmem:s28+$0x6000]  }
0x46: {  	v4 =	vld [tilespmem:s28+$0x7000]  }
0x47: {  	v2 =	vld [tilespmem:s28+$0x4080]  }
0x48: {  	s1 =	simm.s32 $0x10;
	s0 =	simm.s32 $0x20;
	v7 =	vadd.f32 v3, v1;
	v3 =	vld [tilespmem:s28+$0x5080]  }
.LBB2_3:
0x49: {  	s6 =	sand.u32 $0x70, s1;
	s11 =	sand.u32 $0xF00, s0;
	p1 =	sne.s32 s1, $0x7F0;
	v6 =	vadd.f32 v6, v1;
	v8 =	vld [tilespmem:s28+$0x6080]  }
0x4a: {  	s6 =	sor.u32 s6, s11;
	[tilespmem:s28+$0x4000] =	vst v7;
	v5 =	vadd.f32 v5, v1;
	v7 =	vld [tilespmem:s28+$0x7080]  }
0x4b: {  	[tilespmem:s28+$0x5000] =	vst v6;
	v4 =	vadd.f32 v4, v1;
	v1 =	vld [tilespmem:s6+$0x0]  }
0x4c: {  	v9 =	vld [tilespmem:s6+$0x80];
	[tilespmem:s28+$0x6000] =	vst v5;
	v2 =	vadd.f32 v2, v0  }
0x4d: {  	v10 =	vld [tilespmem:s6+$0x4000];
	[tilespmem:s28+$0x7000] =	vst v4;
	v3 =	vadd.f32 v3, v0  }
.Ltmp0:
0x4e: {  	v6 =	vld [tilespmem:s6+$0x5000];
	[tilespmem:s28+$0x4080] =	vst v2;
	v2 =	vadd.f32 v8, v0;
	(pc) =	sbr.rel @p1 .LBB2_3-.Ltmp0, $4  }
0x4f: {  	v5 =	vld [tilespmem:s6+$0x6000];
	[tilespmem:s28+$0x5080] =	vst v3;
	v3 =	vadd.f32 v7, v0  }
0x50: {  	v4 =	vld [tilespmem:s6+$0x7000];
	[tilespmem:s28+$0x6080] =	vst v2  }
0x51: {  	v2 =	vld [tilespmem:s6+$0x4080];
	[tilespmem:s28+$0x7080] =	vst v3;
	v0 =	vmov v9;
	s28 =	smov.u32 s6  }
0x52: {  	s0 =	sadd.s32 $0x20, s0;
	s1 =	sadd.s32 $0x10, s1;
	v7 =	vadd.f32 v10, v1;
	v3 =	vld [tilespmem:s28+$0x5080]  }
0x53: {  	v8 =	vld [tilespmem:s28+$0x6080];
	v6 =	vadd.f32 v6, v1  }
0x54: {  	[tilespmem:s28+$0x4000] =	vst v7;
	v5 =	vadd.f32 v5, v1;
	v7 =	vld [tilespmem:s28+$0x7080]  }
0x55: {  	[tilespmem:s28+$0x5000] =	vst v6;
	v1 =	vadd.f32 v4, v1  }
0x56: {  	[tilespmem:s28+$0x6000] =	vst v5;
	v2 =	vadd.f32 v2, v0  }
0x57: {  	[tilespmem:s28+$0x7000] =	vst v1;
	v1 =	vadd.f32 v3, v0  }
0x58: {  	s0 =	rddreg [dreg:$0x8];
	[tilespmem:s28+$0x4080] =	vst v2;
	v2 =	vadd.f32 v8, v0  }
0x59: {  	s0 =	sadd.s32 s0, s25;
	[tilespmem:s28+$0x5080] =	vst v1;
	v0 =	vadd.f32 v7, v0  }
0x5a: {  	s0 =	sshll.u32 s0, $0xB;
	[tilespmem:s28+$0x6080] =	vst v2  }
0x5b: {  	s1 =	simm.s32 $0x4000;
	s0 =	sadd.s32 s4, s0;
	[tilespmem:s28+$0x7080] =	vst v0  }
0x5c: {  	[hbm4b:s0+s22] =	stream.strided.scatter [tilespmem:s1], [sflag:$0x5], $0x1000, s23, s22, $0x38;
	[tilespmem:$0x14000] =	vst v63  }
0x5d: {  	s6 =	simm.s32 $0x5000;
	s12 =	sadd.s32 $0x100000, s0  }
0x5e: {  	[hbm4b:s12+s22] =	stream.strided.scatter [tilespmem:s6], [sflag:$0x5], $0x1000, s23, s22, $0x38;
	[tilespmem:$0x14000] =	vst v63  }
0x5f: {  	s11 =	simm.s32 $0x6000;
	s6 =	sadd.s32 $0x200000, s0  }
0x60: {  	[hbm4b:s6+s22] =	stream.strided.scatter [tilespmem:s11], [sflag:$0x5], $0x1000, s23, s22, $0x38;
	[tilespmem:$0x14000] =	vst v63  }
0x61: {  	s0 =	sadd.s32 $0x300000, s0;
	s12 =	simm.s32 $0x7000  }
0x62: {  	[hbm4b:s0+s22] =	stream.strided.scatter [tilespmem:s12], [sflag:$0x5], $0x1000, s23, s22, $0x38;
	[tilespmem:$0x14000] =	vst v63  }
0x63: {  	s0 =	simm.s32 @!p0 $0x8  }
0x64: {  	_ =	swait.ge @!p0 [sflag:s0], $0x4000  }
0x65: {  	s28 =	sor.u32 $0x60, s31;
	[sflag:s0] =	ssyncset.done @!p0 $0x0  }
0x66: {  	s1 =	sadd.s32 s3, s28;
	s6 =	simm.s32 $0x3000;
	[sflag:s0] =	ssyncadd.s32 @!p0 $0xFFFFC000  }
0x67: {  	[tilespmem:s6], [sflag:$0x4] =	stream.strided.gather [hbm4b:s1+s22], $0x1000, s23, s22, $0x38;
	[tilespmem:$0x14000] =	vst v63  }
0x68: {  	s11 =	sadd.s32 s2, s28  }
0x69: {  	[tilespmem:s18], [sflag:$0x4] =	stream.strided.gather [hbm4b:s11+s22], $0x1000, s23, s22, $0x38;
	[tilespmem:$0x14000] =	vst v63  }
0x6a: {  	s12 =	sadd.s32 $0x100000, s11  }
0x6b: {  	[tilespmem:s19], [sflag:$0x4] =	stream.strided.gather [hbm4b:s12+s22], $0x1000, s23, s22, $0x38;
	[tilespmem:$0x14000] =	vst v63  }
0x6c: {  	s6 =	sadd.s32 $0x200000, s11  }
0x6d: {  	[tilespmem:s20], [sflag:$0x4] =	stream.strided.gather [hbm4b:s6+s22], $0x1000, s23, s22, $0x38;
	[tilespmem:$0x14000] =	vst v63  }
0x6e: {  	s0 =	sadd.s32 $0x300000, s11  }
0x6f: {  	[tilespmem:s21], [sflag:$0x4] =	stream.strided.gather [hbm4b:s0+s22], $0x1000, s23, s22, $0x38;
	[tilespmem:$0x14000] =	vst v63  }
0x70: {  	_ =	swait.ge [sflag:s8], $0x1000  }
0x71: {  	[sflag:s8] =	ssyncset.done $0x0  }
0x72: {  	[sflag:s8] =	ssyncadd.s32 $0xFFFFF000  }
0x73: {  	s11 =	simm.s32 $0x0;
	_ =	swait.ge [sflag:s8], $0x4000  }
0x74: {  	s12 =	sand.u32 $0x70, s11;
	s0 =	sand.u32 $0xF00, s11;
	[sflag:s8] =	ssyncset.done $0x0  }
0x75: {  	s0 =	sor.u32 s12, s0;
	[sflag:s8] =	ssyncadd.s32 $0xFFFFC000  }
0x76: {  	v1 =	vld [tilespmem:s0+$0x1000]  }
0x77: {  	v0 =	vld [tilespmem:s0+$0x1080]  }
0x78: {  	v3 =	vld [tilespmem:s0+$0x8000]  }
0x79: {  	v6 =	vld [tilespmem:s0+$0x9000]  }
0x7a: {  	v5 =	vld [tilespmem:s0+$0xA000]  }
0x7b: {  	v4 =	vld [tilespmem:s0+$0xB000]  }
0x7c: {  	v2 =	vld [tilespmem:s0+$0x8080]  }
0x7d: {  	s1 =	simm.s32 $0x20;
	s6 =	simm.s32 $0x10;
	v7 =	vadd.f32 v3, v1;
	v3 =	vld [tilespmem:s0+$0x9080]  }
.LBB2_5:
0x7e: {  	s11 =	sand.u32 $0x70, s6;
	s12 =	sand.u32 $0xF00, s1;
	p0 =	sne.s32 s6, $0x7F0;
	v6 =	vadd.f32 v6, v1;
	v8 =	vld [tilespmem:s0+$0xA080]  }
0x7f: {  	s11 =	sor.u32 s11, s12;
	[tilespmem:s0+$0x8000] =	vst v7;
	v5 =	vadd.f32 v5, v1;
	v7 =	vld [tilespmem:s0+$0xB080]  }
0x80: {  	[tilespmem:s0+$0x9000] =	vst v6;
	v4 =	vadd.f32 v4, v1;
	v1 =	vld [tilespmem:s11+$0x1000]  }
0x81: {  	v9 =	vld [tilespmem:s11+$0x1080];
	[tilespmem:s0+$0xA000] =	vst v5;
	v2 =	vadd.f32 v2, v0  }
0x82: {  	v10 =	vld [tilespmem:s11+$0x8000];
	[tilespmem:s0+$0xB000] =	vst v4;
	v3 =	vadd.f32 v3, v0  }
.Ltmp1:
0x83: {  	v6 =	vld [tilespmem:s11+$0x9000];
	[tilespmem:s0+$0x8080] =	vst v2;
	v2 =	vadd.f32 v8, v0;
	(pc) =	sbr.rel @p0 .LBB2_5-.Ltmp1, $4  }
0x84: {  	v5 =	vld [tilespmem:s11+$0xA000];
	[tilespmem:s0+$0x9080] =	vst v3;
	v3 =	vadd.f32 v7, v0  }
0x85: {  	v4 =	vld [tilespmem:s11+$0xB000];
	[tilespmem:s0+$0xA080] =	vst v2  }
0x86: {  	v2 =	vld [tilespmem:s11+$0x8080];
	[tilespmem:s0+$0xB080] =	vst v3;
	v0 =	vmov v9;
	s0 =	smov.u32 s11  }
0x87: {  	s1 =	sadd.s32 $0x20, s1;
	s6 =	sadd.s32 $0x10, s6;
	v7 =	vadd.f32 v10, v1;
	v3 =	vld [tilespmem:s0+$0x9080]  }
0x88: {  	v8 =	vld [tilespmem:s0+$0xA080];
	v6 =	vadd.f32 v6, v1  }
0x89: {  	[tilespmem:s0+$0x8000] =	vst v7;
	v5 =	vadd.f32 v5, v1;
	v7 =	vld [tilespmem:s0+$0xB080]  }
0x8a: {  	[tilespmem:s0+$0x9000] =	vst v6;
	v1 =	vadd.f32 v4, v1  }
0x8b: {  	[tilespmem:s0+$0xA000] =	vst v5;
	v2 =	vadd.f32 v2, v0  }
0x8c: {  	[tilespmem:s0+$0xB000] =	vst v1;
	v1 =	vadd.f32 v3, v0  }
0x8d: {  	[tilespmem:s0+$0x8080] =	vst v2;
	v2 =	vadd.f32 v8, v0  }
0x8e: {  	[tilespmem:s0+$0x9080] =	vst v1;
	v0 =	vadd.f32 v7, v0  }
0x8f: {  	s6 =	rddreg [dreg:$0x9];
	[tilespmem:s0+$0xA080] =	vst v2  }
0x90: {  	s1 =	simm.s32 $0x8000;
	[tilespmem:s0+$0xB080] =	vst v0;
	s0 =	sadd.s32 s31, s6  }
0x91: {  	[hbm4b:s0+s22] =	stream.strided.scatter [tilespmem:s1], [sflag:$0x6], $0x1000, s23, s22, $0x38;
	[tilespmem:$0x14000] =	vst v63  }
0x92: {  	s6 =	simm.s32 $0x9000;
	s11 =	sadd.s32 $0x100000, s0  }
0x93: {  	[hbm4b:s11+s22] =	stream.strided.scatter [tilespmem:s6], [sflag:$0x6], $0x1000, s23, s22, $0x38;
	[tilespmem:$0x14000] =	vst v63  }
0x94: {  	s31 =	simm.s32 $0xA000;
	s12 =	sadd.s32 $0x200000, s0  }
0x95: {  	[hbm4b:s12+s22] =	stream.strided.scatter [tilespmem:s31], [sflag:$0x6], $0x1000, s23, s22, $0x38;
	[tilespmem:$0x14000] =	vst v63  }
0x96: {  	s0 =	sadd.s32 $0x300000, s0;
	s11 =	simm.s32 $0xB000  }
0x97: {  	[hbm4b:s0+s22] =	stream.strided.scatter [tilespmem:s11], [sflag:$0x6], $0x1000, s23, s22, $0x38;
	[tilespmem:$0x14000] =	vst v63  }
0x98: {  	p0 =	seq.s32 s25, $0xF;
	_ =	swait.ge [sflag:s10], $0x4000  }
0x99: {  	s6 =	simm.s32 @!p0 $0x100;
	s0 =	rddreg [dreg:$0xa]  }
0x9a: {  	s12 =	simm.s32 @!p0 $0x0;
	[sflag:s10] =	ssyncset.done $0x0;
	s0 =	sadd.s32 @!p0 s26, s0  }
0x9b: {  	s11 =	simm.s32 @!p0 $0x400;
	[sflag:s10] =	ssyncadd.s32 $0xFFFFC000;
	s1 =	sadd.s32 @!p0 s3, s0  }
0x9c: {  	[tilespmem:s12], [sflag:$0x1] =	stream.strided.gather @!p0 [hbm4b:s1+s6], $0x1000, s11, s6, $0x38;
	[tilespmem:$0x14000] =	vst v63  }
0x9d: {  	s0 =	sadd.s32 @!p0 s2, s0;
	s1 =	simm.s32 @!p0 $0x4000  }
0x9e: {  	[tilespmem:s1], [sflag:$0x1] =	stream.strided.gather @!p0 [hbm4b:s0+s6], $0x1000, s11, s6, $0x38;
	[tilespmem:$0x14000] =	vst v63  }
0x9f: {  	s12 =	simm.s32 @!p0 $0x5000;
	s1 =	sadd.s32 @!p0 $0x100000, s0  }
0xa0: {  	[tilespmem:s12], [sflag:$0x1] =	stream.strided.gather @!p0 [hbm4b:s1+s6], $0x1000, s11, s6, $0x38;
	[tilespmem:$0x14000] =	vst v63  }
0xa1: {  	s1 =	sadd.s32 @!p0 $0x200000, s0;
	s12 =	simm.s32 @!p0 $0x6000  }
0xa2: {  	[tilespmem:s12], [sflag:$0x1] =	stream.strided.gather @!p0 [hbm4b:s1+s6], $0x1000, s11, s6, $0x38;
	[tilespmem:$0x14000] =	vst v63  }
0xa3: {  	s0 =	sadd.s32 @!p0 $0x300000, s0;
	s1 =	simm.s32 @!p0 $0x7000  }
0xa4: {  	[tilespmem:s1], [sflag:$0x1] =	stream.strided.gather @!p0 [hbm4b:s0+s6], $0x1000, s11, s6, $0x38;
	[tilespmem:$0x14000] =	vst v63  }
0xa5: {  	_ =	swait.ge [sflag:s5], $0x1000  }
0xa6: {  	[sflag:s5] =	ssyncset.done $0x0  }
0xa7: {  	[sflag:s5] =	ssyncadd.s32 $0xFFFFF000  }
0xa8: {  	s12 =	simm.s32 $0x0;
	_ =	swait.ge [sflag:s5], $0x4000  }
0xa9: {  	s31 =	sand.u32 $0x70, s12;
	s0 =	sand.u32 $0xF00, s12;
	[sflag:s5] =	ssyncset.done $0x0  }
0xaa: {  	s0 =	sor.u32 s31, s0;
	[sflag:s5] =	ssyncadd.s32 $0xFFFFC000  }
0xab: {  	v1 =	vld [tilespmem:s0+$0x2000]  }
0xac: {  	v0 =	vld [tilespmem:s0+$0x2080]  }
0xad: {  	v3 =	vld [tilespmem:s0+$0xC000]  }
0xae: {  	v6 =	vld [tilespmem:s0+$0xD000]  }
0xaf: {  	v5 =	vld [tilespmem:s0+$0xE000]  }
0xb0: {  	v4 =	vld [tilespmem:s0+$0xF000]  }
0xb1: {  	v2 =	vld [tilespmem:s0+$0xC080]  }
0xb2: {  	s1 =	simm.s32 $0x20;
	s6 =	simm.s32 $0x10;
	v7 =	vadd.f32 v3, v1;
	v3 =	vld [tilespmem:s0+$0xD080]  }
.LBB2_7:
0xb3: {  	s11 =	sand.u32 $0x70, s6;
	s12 =	sand.u32 $0xF00, s1;
	p1 =	sne.s32 s6, $0x7F0;
	v6 =	vadd.f32 v6, v1;
	v8 =	vld [tilespmem:s0+$0xE080]  }
0xb4: {  	s11 =	sor.u32 s11, s12;
	[tilespmem:s0+$0xC000] =	vst v7;
	v5 =	vadd.f32 v5, v1;
	v7 =	vld [tilespmem:s0+$0xF080]  }
0xb5: {  	[tilespmem:s0+$0xD000] =	vst v6;
	v4 =	vadd.f32 v4, v1;
	v1 =	vld [tilespmem:s11+$0x2000]  }
0xb6: {  	v9 =	vld [tilespmem:s11+$0x2080];
	[tilespmem:s0+$0xE000] =	vst v5;
	v2 =	vadd.f32 v2, v0  }
0xb7: {  	v10 =	vld [tilespmem:s11+$0xC000];
	[tilespmem:s0+$0xF000] =	vst v4;
	v3 =	vadd.f32 v3, v0  }
.Ltmp2:
0xb8: {  	v6 =	vld [tilespmem:s11+$0xD000];
	[tilespmem:s0+$0xC080] =	vst v2;
	v2 =	vadd.f32 v8, v0;
	(pc) =	sbr.rel @p1 .LBB2_7-.Ltmp2, $4  }
0xb9: {  	v5 =	vld [tilespmem:s11+$0xE000];
	[tilespmem:s0+$0xD080] =	vst v3;
	v3 =	vadd.f32 v7, v0  }
0xba: {  	v4 =	vld [tilespmem:s11+$0xF000];
	[tilespmem:s0+$0xE080] =	vst v2  }
0xbb: {  	v2 =	vld [tilespmem:s11+$0xC080];
	[tilespmem:s0+$0xF080] =	vst v3;
	v0 =	vmov v9;
	s0 =	smov.u32 s11  }
0xbc: {  	s1 =	sadd.s32 $0x20, s1;
	s6 =	sadd.s32 $0x10, s6;
	v7 =	vadd.f32 v10, v1;
	v3 =	vld [tilespmem:s0+$0xD080]  }
0xbd: {  	v8 =	vld [tilespmem:s0+$0xE080];
	v6 =	vadd.f32 v6, v1  }
0xbe: {  	[tilespmem:s0+$0xC000] =	vst v7;
	v5 =	vadd.f32 v5, v1;
	v7 =	vld [tilespmem:s0+$0xF080]  }
0xbf: {  	[tilespmem:s0+$0xD000] =	vst v6;
	v1 =	vadd.f32 v4, v1  }
0xc0: {  	[tilespmem:s0+$0xE000] =	vst v5;
	v2 =	vadd.f32 v2, v0  }
0xc1: {  	[tilespmem:s0+$0xF000] =	vst v1;
	v1 =	vadd.f32 v3, v0  }
0xc2: {  	[tilespmem:s0+$0xC080] =	vst v2;
	v2 =	vadd.f32 v8, v0  }
0xc3: {  	[tilespmem:s0+$0xD080] =	vst v1;
	v0 =	vadd.f32 v7, v0  }
0xc4: {  	[tilespmem:s0+$0xE080] =	vst v2  }
0xc5: {  	s11 =	sadd.s32 s4, s30;
	[tilespmem:s0+$0xF080] =	vst v0  }
0xc6: {  	[hbm4b:s11+s22] =	stream.strided.scatter [tilespmem:s29], [sflag:$0x7], $0x1000, s23, s22, $0x38;
	[tilespmem:$0x14000] =	vst v63  }
0xc7: {  	s1 =	sadd.s32 $0x100000, s11  }
0xc8: {  	[hbm4b:s1+s22] =	stream.strided.scatter [tilespmem:s7], [sflag:$0x7], $0x1000, s23, s22, $0x38;
	[tilespmem:$0x14000] =	vst v63  }
0xc9: {  	s12 =	sadd.s32 $0x200000, s11  }
0xca: {  	[hbm4b:s12+s22] =	stream.strided.scatter [tilespmem:s9], [sflag:$0x7], $0x1000, s23, s22, $0x38;
	[tilespmem:$0x14000] =	vst v63  }
0xcb: {  	s0 =	sadd.s32 $0x300000, s11  }
0xcc: {  	[hbm4b:s0+s22] =	stream.strided.scatter [tilespmem:s15], [sflag:$0x7], $0x1000, s23, s22, $0x38;
	[tilespmem:$0x14000] =	vst v63  }
0xcd: {  	s6 =	simm.s32 @!p0 $0x100;
	_ =	swait.ge [sflag:s17], $0x4000  }
0xce: {  	s11 =	simm.s32 @!p0 $0x400;
	s0 =	sadd.s32 @!p0 s26, s14;
	[sflag:s17] =	ssyncset.done $0x0  }
0xcf: {  	s12 =	simm.s32 @!p0 $0x1000;
	s1 =	sadd.s32 @!p0 s3, s0;
	[sflag:s17] =	ssyncadd.s32 $0xFFFFC000  }
0xd0: {  	[tilespmem:s12], [sflag:$0x2] =	stream.strided.gather @!p0 [hbm4b:s1+s6], $0x1000, s11, s6, $0x38;
	[tilespmem:$0x14000] =	vst v63  }
0xd1: {  	s0 =	sadd.s32 @!p0 s2, s0;
	s1 =	simm.s32 @!p0 $0x8000  }
0xd2: {  	[tilespmem:s1], [sflag:$0x2] =	stream.strided.gather @!p0 [hbm4b:s0+s6], $0x1000, s11, s6, $0x38;
	[tilespmem:$0x14000] =	vst v63  }
0xd3: {  	s12 =	simm.s32 @!p0 $0x9000;
	s1 =	sadd.s32 @!p0 $0x100000, s0  }
0xd4: {  	[tilespmem:s12], [sflag:$0x2] =	stream.strided.gather @!p0 [hbm4b:s1+s6], $0x1000, s11, s6, $0x38;
	[tilespmem:$0x14000] =	vst v63  }
0xd5: {  	s1 =	sadd.s32 @!p0 $0x200000, s0;
	s12 =	simm.s32 @!p0 $0xA000  }
0xd6: {  	[tilespmem:s12], [sflag:$0x2] =	stream.strided.gather @!p0 [hbm4b:s1+s6], $0x1000, s11, s6, $0x38;
	[tilespmem:$0x14000] =	vst v63  }
0xd7: {  	s0 =	sadd.s32 @!p0 $0x300000, s0;
	s1 =	simm.s32 @!p0 $0xB000  }
0xd8: {  	[tilespmem:s1], [sflag:$0x2] =	stream.strided.gather @!p0 [hbm4b:s0+s6], $0x1000, s11, s6, $0x38;
	[tilespmem:$0x14000] =	vst v63  }
0xd9: {  	_ =	swait.ge [sflag:s24], $0x1000  }
0xda: {  	[sflag:s24] =	ssyncset.done $0x0  }
0xdb: {  	[sflag:s24] =	ssyncadd.s32 $0xFFFFF000  }
0xdc: {  	s30 =	simm.s32 $0x0;
	_ =	swait.ge [sflag:s24], $0x4000  }
0xdd: {  	s31 =	sand.u32 $0x70, s30;
	s0 =	sand.u32 $0xF00, s30;
	[sflag:s24] =	ssyncset.done $0x0  }
0xde: {  	s0 =	sor.u32 s31, s0;
	[sflag:s24] =	ssyncadd.s32 $0xFFFFC000  }
0xdf: {  	v1 =	vld [tilespmem:s0+$0x3000]  }
0xe0: {  	v0 =	vld [tilespmem:s0+$0x3080]  }
0xe1: {  	v3 =	vld [tilespmem:s0+$0x10000]  }
0xe2: {  	v6 =	vld [tilespmem:s0+$0x11000]  }
0xe3: {  	v5 =	vld [tilespmem:s0+$0x12000]  }
0xe4: {  	v4 =	vld [tilespmem:s0+$0x13000]  }
0xe5: {  	v2 =	vld [tilespmem:s0+$0x10080]  }
0xe6: {  	s1 =	simm.s32 $0x20;
	s6 =	simm.s32 $0x10;
	v7 =	vadd.f32 v3, v1;
	v3 =	vld [tilespmem:s0+$0x11080]  }
.LBB2_9:
0xe7: {  	s11 =	sand.u32 $0x70, s6;
	s12 =	sand.u32 $0xF00, s1;
	p0 =	sne.s32 s6, $0x7F0;
	v6 =	vadd.f32 v6, v1;
	v8 =	vld [tilespmem:s0+$0x12080]  }
0xe8: {  	s11 =	sor.u32 s11, s12;
	[tilespmem:s0+$0x10000] =	vst v7;
	v5 =	vadd.f32 v5, v1;
	v7 =	vld [tilespmem:s0+$0x13080]  }
0xe9: {  	[tilespmem:s0+$0x11000] =	vst v6;
	v4 =	vadd.f32 v4, v1;
	v1 =	vld [tilespmem:s11+$0x3000]  }
0xea: {  	v9 =	vld [tilespmem:s11+$0x3080];
	[tilespmem:s0+$0x12000] =	vst v5;
	v2 =	vadd.f32 v2, v0  }
0xeb: {  	v10 =	vld [tilespmem:s11+$0x10000];
	[tilespmem:s0+$0x13000] =	vst v4;
	v3 =	vadd.f32 v3, v0  }
.Ltmp3:
0xec: {  	v6 =	vld [tilespmem:s11+$0x11000];
	[tilespmem:s0+$0x10080] =	vst v2;
	v2 =	vadd.f32 v8, v0;
	(pc) =	sbr.rel @p0 .LBB2_9-.Ltmp3, $4  }
0xed: {  	v5 =	vld [tilespmem:s11+$0x12000];
	[tilespmem:s0+$0x11080] =	vst v3;
	v3 =	vadd.f32 v7, v0  }
0xee: {  	v4 =	vld [tilespmem:s11+$0x13000];
	[tilespmem:s0+$0x12080] =	vst v2  }
0xef: {  	v2 =	vld [tilespmem:s11+$0x10080];
	[tilespmem:s0+$0x13080] =	vst v3;
	v0 =	vmov v9;
	s0 =	smov.u32 s11  }
0xf0: {  	s1 =	sadd.s32 $0x20, s1;
	s6 =	sadd.s32 $0x10, s6;
	v7 =	vadd.f32 v10, v1;
	v3 =	vld [tilespmem:s0+$0x11080]  }
0xf1: {  	v8 =	vld [tilespmem:s0+$0x12080];
	v6 =	vadd.f32 v6, v1  }
0xf2: {  	v59 =	vld [tilespmem:s0+$0x13080];
	[tilespmem:s0+$0x10000] =	vst v7;
	v5 =	vadd.f32 v5, v1  }
0xf3: {  	[tilespmem:s0+$0x11000] =	vst v6;
	v60 =	vadd.f32 v4, v1  }
0xf4: {  	[tilespmem:s0+$0x12000] =	vst v5;
	v2 =	vadd.f32 v2, v0  }
0xf5: {  	[tilespmem:s0+$0x13000] =	vst v60;
	v61 =	vadd.f32 v3, v0  }
0xf6: {  	[tilespmem:s0+$0x10080] =	vst v2;
	v62 =	vadd.f32 v8, v0  }
0xf7: {  	v63 =	vadd.f32 v59, v0;
	[tilespmem:s0+$0x11080] =	vst v61  }
0xf8: {  	[tilespmem:s0+$0x12080] =	vst v62  }
0xf9: {  	s30 =	sadd.s32 s4, s28;
	s25 =	sadd.s32 $0x1, s25;
	[tilespmem:s0+$0x13080] =	vst v63  }
0xfa: {  	[hbm4b:s30+s22] =	stream.strided.scatter [tilespmem:s18], [sflag:$0x8], $0x1000, s23, s22, $0x38;
	[tilespmem:$0x14000] =	vst v63  }
0xfb: {  	s1 =	sadd.s32 $0x100000, s30;
	p0 =	sne.s32 s25, $0x10  }
0xfc: {  	[hbm4b:s1+s22] =	stream.strided.scatter [tilespmem:s19], [sflag:$0x8], $0x1000, s23, s22, $0x38;
	[tilespmem:$0x14000] =	vst v63  }
.Ltmp4:
0xfd: {  	_ = 	snop;
	(pc) =	sbr.rel @p0 .LBB2_2-.Ltmp4, $4  }
0xfe: {  	s31 =	sadd.s32 $0x200000, s30  }
0xff: {  	[hbm4b:s31+s22] =	stream.strided.scatter [tilespmem:s20], [sflag:$0x8], $0x1000, s23, s22, $0x38;
	[tilespmem:$0x14000] =	vst v63  }
0x100: {  	s0 =	sadd.s32 $0x300000, s30  }
0x101: {  	[hbm4b:s0+s22] =	stream.strided.scatter [tilespmem:s21], [sflag:$0x8], $0x1000, s23, s22, $0x38;
	[tilespmem:$0x14000] =	vst v63  }
0x102: {  	s0 =	simm.s32 $0x7  }
0x103: {  	_ =	swait.ge [sflag:s0], $0x4000  }
0x104: {  	[sflag:s0] =	ssyncset.done $0x0  }
0x105: {  	s1 =	simm.s32 $0x8;
	[sflag:s0] =	ssyncadd.s32 $0xFFFFC000  }
0x106: {  	_ =	swait.ge [sflag:s1], $0x4000  }
0x107: {  	s6 =	rddreg [dreg:$0x12]  }
0x108: {  	s31 =	rddreg [dreg:$0xb];
	s6 =	sadd.s32 $0x1, s6  }
0x109: {  	p0 =	sne.s32 s6, s31  }
.Ltmp5:
0x10a: {  	_ = 	snop;
	(pc) =	sbr.rel @p0 .LBB2_1-.Ltmp5, $3  }
0x10b: {  	_ =	sdelay $0x1  }
0x10c: {  	[sflag:s1] =	ssyncset.done $0x0  }
0x10d: {  	[sflag:s1] =	ssyncadd.s32 $0xFFFFC000  }
0x10e: {  	_ =	sfence.sel $0x180000  }
0x10f: {  	[bflag:$0x0] =	sbarrier.arrive $0xFFFF  }
0x110: {  	_ =	strace $0x90000047  }
0x111: {  	s0 =	stileid.u32;
	[bflag:$0x2] =	sbarrier.arrive $0xFFFF  }
0x112: {  	p0 =	sne.s32 s0, $0x0;
	s0 =	rddreg [dreg:$0x3]  }
0x113: {  	s0 =	sadd.s32 @!p0 $0x100000, s0  }
0x114: {  	[sflag:s0] =	ssyncadd.tile.s32 @!p0 $0x1;
	_ =	shalt  }
.Lfunc_end2:
_tile_overlayer_lowered:
.L_overlay_start_2:
0x115: {  	(tag) =	ssettag $0x2  }
0x116: {  	s0 =	rddreg [dreg:$0x0];
	s2 =	stileid.u32  }
0x117: {  	s1 =	rddreg [dreg:$0x1];
	p0 =	sne.s32 s2, $0x0  }
0x118: {  	s3 =	rddreg [dreg:$0x2];
	[bflag:$0x3] =	sbarrier.arrive $0xFFFF;
	s2 =	simm.s32 @!p0 $0x1C09  }
0x119: {  	[timem:s3], [sflag:s2] =	dma.local @!p0 [hbm:s0], s1  }
0x11a: {  	s0 =	simm.s32 @!p0 $0x9  }
0x11b: {  	_ =	swait.ge @!p0 [sflag:s0], s1  }
0x11c: {  	s1 =	ssub.s32 @!p0 $0x0, s1;
	[sflag:s0] =	ssyncset.done @!p0 $0x0  }
0x11d: {  	[sflag:s0] =	ssyncadd.s32 @!p0 s1  }
0x11e: {  	[bflag:$0x3] =	sbarrier.arrive $0xFFFF  }
0x11f: {  	_ =	shalt  }

</sc_bundles>
